<compile_context>
chip_gen: v7x
topology: tpu7x:2x2x1
jax: 0.10.2.dev20260603
libtpu: 0.0.44.dev20260713+nightly
codegen_flags: <defaults>
</compile_context>

<pallas_src>
import functools
import jax
import jax.numpy as jnp
from jax import lax
from jax.experimental import pallas as pl
from jax.experimental.pallas import tpu as pltpu
from jax.experimental.pallas import tpu_sc as plsc

NUM_NODES_K = 50000
EMBED_DIM_K = 128
BATCH_K = 8
CHUNK_N = 400
N_CHUNKS_TOT = NUM_NODES_K // CHUNK_N
N_WORKERS = 32
CHUNKS_PER_W = -(-N_CHUNKS_TOT // N_WORKERS)
NBUF = 2


def _sc_body(t_hbm, o_hbm, b0, b1, i0, i1, o0, o1):
    bufs = [b0, b1]
    isems = [i0, i1]
    osems = [o0, o1]
    wid = lax.axis_index("s") * 2 + lax.axis_index("c")

    def rows_of(i):
        cid = wid + i * N_WORKERS
        return cid, pl.ds(cid * CHUNK_N, CHUNK_N)

    def start_load(i):
        if i >= CHUNKS_PER_W:
            return
        cid, rows = rows_of(i)

        @pl.when(cid < N_CHUNKS_TOT)
        def _():
            pltpu.async_copy(t_hbm.at[rows, :], bufs[i % NBUF],
                             isems[i % NBUF])

    def wait_load(i):
        cid, rows = rows_of(i)

        @pl.when(cid < N_CHUNKS_TOT)
        def _():
            pltpu.make_async_copy(t_hbm.at[rows, :], bufs[i % NBUF],
                                  isems[i % NBUF]).wait()

    def start_stores(i):
        cid, rows = rows_of(i)

        @pl.when(cid < N_CHUNKS_TOT)
        def _():
            for b in range(BATCH_K):
                pltpu.async_copy(bufs[i % NBUF], o_hbm.at[b, rows, :],
                                 osems[i % NBUF])

    def wait_stores(i):
        if i < 0 or i >= CHUNKS_PER_W:
            return
        cid, rows = rows_of(i)

        @pl.when(cid < N_CHUNKS_TOT)
        def _():
            for b in range(BATCH_K):
                pltpu.make_async_copy(bufs[i % NBUF], o_hbm.at[b, rows, :],
                                      osems[i % NBUF]).wait()

    for i in range(NBUF - 1):
        start_load(i)
    for i in range(CHUNKS_PER_W):
        wait_load(i)
        start_stores(i)
        wait_stores(i - 1)
        start_load(i + NBUF - 1)
    wait_stores(CHUNKS_PER_W - 1)


def kernel(table, batch_size):
    del batch_size
    mesh = plsc.VectorSubcoreMesh(core_axis_name="c", subcore_axis_name="s")
    run = functools.partial(
        pl.kernel,
        mesh=mesh,
        out_type=jax.ShapeDtypeStruct((BATCH_K, NUM_NODES_K, EMBED_DIM_K),
                                      jnp.float32),
        scratch_types=(
            [pltpu.VMEM((CHUNK_N, EMBED_DIM_K), jnp.float32)] * NBUF
            + [pltpu.SemaphoreType.DMA] * (2 * NBUF)
        ),
    )(_sc_body)
    return run(table)

# --- scband reference (transcript-rebuilt; emitter-appended) ---
"""Pipeline reference for scband-node-identity-embedding-62577673503618 (READ-ONLY COPY).

The authoritative reference and input builder live on the scoring server;
editing this copy changes nothing except your own understanding.
"""

import jax, jax.numpy as jnp
import numpy as np

NUM_NODES = 50000
EMBED_DIM = 128

def setup_inputs(seed: int = 0) -> dict:
    key = jax.random.key(seed)
    # learned embedding table (nn.Embedding weight), default init ~ N(0,1)
    table = jax.random.normal(key, (NUM_NODES, EMBED_DIM), dtype=jnp.float32)
    return {"table": table, "batch_size": 8}

def reference(table, batch_size):
    # node_ids = arange(num_nodes); embedding lookup; expand over batch
    node_ids = jnp.arange(NUM_NODES)
    emb = jnp.take(table, node_ids, axis=0)  # (num_nodes, embed_dim)
    BATCH_SIZE = 8  # setup_inputs always passes batch_size=8
    out = jnp.broadcast_to(emb[None, :, :], (BATCH_SIZE, NUM_NODES, EMBED_DIM))
    out = out + batch_size * 0
    return out

if __name__ == "__main__":
    import jax
    _d = setup_inputs()
    print(jax.jit(kernel)(*tuple(_d.values())))

</pallas_src>

<mosaic_0001>
#map = affine_map<(d0, d1) -> (0, 0)>
#map1 = affine_map<(d0, d1) -> (0, 0, 0)>
module attributes {stable_mosaic.version = 14 : i64} {
  func.func @_sc_body(%arg0: i32, %arg1: i32, %arg2: memref<50000x128xf32, #tpu.memory_space<hbm>>, %arg3: memref<8x50000x128xf32, #tpu.memory_space<hbm>>, %arg4: memref<400x128xf32, #tpu.memory_space<vmem>>, %arg5: memref<400x128xf32, #tpu.memory_space<vmem>>, %arg6: memref<!tpu.dma_semaphore, #tpu.memory_space<semaphore_mem>>, %arg7: memref<!tpu.dma_semaphore, #tpu.memory_space<semaphore_mem>>, %arg8: memref<!tpu.dma_semaphore, #tpu.memory_space<semaphore_mem>>, %arg9: memref<!tpu.dma_semaphore, #tpu.memory_space<semaphore_mem>>) attributes {dimension_semantics = [#tpu.dimension_semantics<core_parallel>, #tpu.dimension_semantics<subcore_parallel>], iteration_bounds = array<i64: 2, 16>, scalar_prefetch = 0 : i64, scratch_operands = 6 : i64, tpu.core_type = #tpu.core_type<sc_vector_subcore>, window_params = [{transform_indices = #map}, {transform_indices = #map1}]} {
    %mul3A = arith.constant 2 : i32
    %mul3A_0 = arith.muli %arg1, %mul3A : i32
    %add3A = arith.addi %mul3A_0, %arg0 : i32
    %add3A_1 = arith.constant 0 : i32
    %add3A_2 = arith.addi %add3A, %add3A_1 : i32
    %mul3A_3 = arith.constant 400 : i32
    %mul3A_4 = arith.muli %add3A_2, %mul3A_3 : i32
    %lt3A = arith.constant 125 : i32
    %lt3A_5 = arith.cmpi slt, %add3A_2, %lt3A : i32
    %convert_element_type3A = arith.extui %lt3A_5 : i1 to i32
    %cond3A = arith.constant 0 : i32
    %cond3A_6 = arith.cmpi ne, %convert_element_type3A, %cond3A : i32
    scf.if %cond3A_6 {
      %dma_start3A = arith.constant 0 : i32
      %dma_start3A_142 = tpu.memref_slice %arg2[%mul3A_4, %dma_start3A] : memref<50000x128xf32, #tpu.memory_space<hbm>> -> memref<400x128xf32, #tpu.memory_space<hbm>>
      %dma_start3A_143 = arith.constant 0 : i32
      %dma_start3A_144 = tpu.memref_slice %arg2[%mul3A_4, %dma_start3A_143] : memref<50000x128xf32, #tpu.memory_space<hbm>> -> memref<400x128xf32, #tpu.memory_space<hbm>>
      tpu.enqueue_dma source(%dma_start3A_144 : memref<400x128xf32, #tpu.memory_space<hbm>>) target(%arg4 : memref<400x128xf32, #tpu.memory_space<vmem>>) target_semaphore(%arg6 : memref<!tpu.dma_semaphore, #tpu.memory_space<semaphore_mem>>)
    } else {
    }
    %add3A_7 = arith.constant 0 : i32
    %add3A_8 = arith.addi %add3A, %add3A_7 : i32
    %mul3A_9 = arith.constant 400 : i32
    %mul3A_10 = arith.muli %add3A_8, %mul3A_9 : i32
    %lt3A_11 = arith.constant 125 : i32
    %lt3A_12 = arith.cmpi slt, %add3A_8, %lt3A_11 : i32
    %convert_element_type3A_13 = arith.extui %lt3A_12 : i1 to i32
    %cond3A_14 = arith.constant 0 : i32
    %cond3A_15 = arith.cmpi ne, %convert_element_type3A_13, %cond3A_14 : i32
    scf.if %cond3A_15 {
      %dma_wait3A = arith.constant 0 : i32
      %dma_wait3A_142 = tpu.memref_slice %arg2[%mul3A_10, %dma_wait3A] : memref<50000x128xf32, #tpu.memory_space<hbm>> -> memref<400x128xf32, #tpu.memory_space<hbm>>
      %dma_wait3A_143 = arith.constant 0 : i32
      %dma_wait3A_144 = tpu.memref_slice %arg2[%mul3A_10, %dma_wait3A_143] : memref<50000x128xf32, #tpu.memory_space<hbm>> -> memref<400x128xf32, #tpu.memory_space<hbm>>
      tpu.wait_dma2 semaphore(%arg6 : memref<!tpu.dma_semaphore, #tpu.memory_space<semaphore_mem>>) src(%dma_wait3A_144 : memref<400x128xf32, #tpu.memory_space<hbm>>) dst(%arg4 : memref<400x128xf32, #tpu.memory_space<vmem>>)
    } else {
    }
    %add3A_16 = arith.constant 0 : i32
    %add3A_17 = arith.addi %add3A, %add3A_16 : i32
    %mul3A_18 = arith.constant 400 : i32
    %mul3A_19 = arith.muli %add3A_17, %mul3A_18 : i32
    %lt3A_20 = arith.constant 125 : i32
    %lt3A_21 = arith.cmpi slt, %add3A_17, %lt3A_20 : i32
    %convert_element_type3A_22 = arith.extui %lt3A_21 : i1 to i32
    %cond3A_23 = arith.constant 0 : i32
    %cond3A_24 = arith.cmpi ne, %convert_element_type3A_22, %cond3A_23 : i32
    scf.if %cond3A_24 {
      %dma_start3A = arith.constant 0 : i32
      %dma_start3A_142 = arith.constant 0 : i32
      %dma_start3A_143 = tpu.memref_slice %arg3[%dma_start3A, %mul3A_19, %dma_start3A_142] : memref<8x50000x128xf32, #tpu.memory_space<hbm>> -> memref<1x400x128xf32, #tpu.memory_space<hbm>>
      %dma_start3A_144 = tpu.memref_squeeze %dma_start3A_143 : memref<1x400x128xf32, #tpu.memory_space<hbm>> -> memref<400x128xf32, #tpu.memory_space<hbm>>
      %dma_start3A_145 = arith.constant 0 : i32
      %dma_start3A_146 = tpu.memref_slice %arg3[%dma_start3A, %mul3A_19, %dma_start3A_145] : memref<8x50000x128xf32, #tpu.memory_space<hbm>> -> memref<1x400x128xf32, #tpu.memory_space<hbm>>
      %dma_start3A_147 = tpu.memref_squeeze %dma_start3A_146 : memref<1x400x128xf32, #tpu.memory_space<hbm>> -> memref<400x128xf32, #tpu.memory_space<hbm>>
      tpu.enqueue_dma source(%arg4 : memref<400x128xf32, #tpu.memory_space<vmem>>) target(%dma_start3A_147 : memref<400x128xf32, #tpu.memory_space<hbm>>) target_semaphore(%arg8 : memref<!tpu.dma_semaphore, #tpu.memory_space<semaphore_mem>>)
      %dma_start3A_148 = arith.constant 1 : i32
      %dma_start3A_149 = arith.constant 0 : i32
      %dma_start3A_150 = tpu.memref_slice %arg3[%dma_start3A_148, %mul3A_19, %dma_start3A_149] : memref<8x50000x128xf32, #tpu.memory_space<hbm>> -> memref<1x400x128xf32, #tpu.memory_space<hbm>>
      %dma_start3A_151 = tpu.memref_squeeze %dma_start3A_150 : memref<1x400x128xf32, #tpu.memory_space<hbm>> -> memref<400x128xf32, #tpu.memory_space<hbm>>
      %dma_start3A_152 = arith.constant 0 : i32
      %dma_start3A_153 = tpu.memref_slice %arg3[%dma_start3A_148, %mul3A_19, %dma_start3A_152] : memref<8x50000x128xf32, #tpu.memory_space<hbm>> -> memref<1x400x128xf32, #tpu.memory_space<hbm>>
      %dma_start3A_154 = tpu.memref_squeeze %dma_start3A_153 : memref<1x400x128xf32, #tpu.memory_space<hbm>> -> memref<400x128xf32, #tpu.memory_space<hbm>>
      tpu.enqueue_dma source(%arg4 : memref<400x128xf32, #tpu.memory_space<vmem>>) target(%dma_start3A_154 : memref<400x128xf32, #tpu.memory_space<hbm>>) target_semaphore(%arg8 : memref<!tpu.dma_semaphore, #tpu.memory_space<semaphore_mem>>)
      %dma_start3A_155 = arith.constant 2 : i32
      %dma_start3A_156 = arith.constant 0 : i32
      %dma_start3A_157 = tpu.memref_slice %arg3[%dma_start3A_155, %mul3A_19, %dma_start3A_156] : memref<8x50000x128xf32, #tpu.memory_space<hbm>> -> memref<1x400x128xf32, #tpu.memory_space<hbm>>
      %dma_start3A_158 = tpu.memref_squeeze %dma_start3A_157 : memref<1x400x128xf32, #tpu.memory_space<hbm>> -> memref<400x128xf32, #tpu.memory_space<hbm>>
      %dma_start3A_159 = arith.constant 0 : i32
      %dma_start3A_160 = tpu.memref_slice %arg3[%dma_start3A_155, %mul3A_19, %dma_start3A_159] : memref<8x50000x128xf32, #tpu.memory_space<hbm>> -> memref<1x400x128xf32, #tpu.memory_space<hbm>>
      %dma_start3A_161 = tpu.memref_squeeze %dma_start3A_160 : memref<1x400x128xf32, #tpu.memory_space<hbm>> -> memref<400x128xf32, #tpu.memory_space<hbm>>
      tpu.enqueue_dma source(%arg4 : memref<400x128xf32, #tpu.memory_space<vmem>>) target(%dma_start3A_161 : memref<400x128xf32, #tpu.memory_space<hbm>>) target_semaphore(%arg8 : memref<!tpu.dma_semaphore, #tpu.memory_space<semaphore_mem>>)
      %dma_start3A_162 = arith.constant 3 : i32
      %dma_start3A_163 = arith.constant 0 : i32
      %dma_start3A_164 = tpu.memref_slice %arg3[%dma_start3A_162, %mul3A_19, %dma_start3A_163] : memref<8x50000x128xf32, #tpu.memory_space<hbm>> -> memref<1x400x128xf32, #tpu.memory_space<hbm>>
      %dma_start3A_165 = tpu.memref_squeeze %dma_start3A_164 : memref<1x400x128xf32, #tpu.memory_space<hbm>> -> memref<400x128xf32, #tpu.memory_space<hbm>>
      %dma_start3A_166 = arith.constant 0 : i32
      %dma_start3A_167 = tpu.memref_slice %arg3[%dma_start3A_162, %mul3A_19, %dma_start3A_166] : memref<8x50000x128xf32, #tpu.memory_space<hbm>> -> memref<1x400x128xf32, #tpu.memory_space<hbm>>
      %dma_start3A_168 = tpu.memref_squeeze %dma_start3A_167 : memref<1x400x128xf32, #tpu.memory_space<hbm>> -> memref<400x128xf32, #tpu.memory_space<hbm>>
      tpu.enqueue_dma source(%arg4 : memref<400x128xf32, #tpu.memory_space<vmem>>) target(%dma_start3A_168 : memref<400x128xf32, #tpu.memory_space<hbm>>) target_semaphore(%arg8 : memref<!tpu.dma_semaphore, #tpu.memory_space<semaphore_mem>>)
      %dma_start3A_169 = arith.constant 4 : i32
      %dma_start3A_170 = arith.constant 0 : i32
      %dma_start3A_171 = tpu.memref_slice %arg3[%dma_start3A_169, %mul3A_19, %dma_start3A_170] : memref<8x50000x128xf32, #tpu.memory_space<hbm>> -> memref<1x400x128xf32, #tpu.memory_space<hbm>>
      %dma_start3A_172 = tpu.memref_squeeze %dma_start3A_171 : memref<1x400x128xf32, #tpu.memory_space<hbm>> -> memref<400x128xf32, #tpu.memory_space<hbm>>
      %dma_start3A_173 = arith.constant 0 : i32
      %dma_start3A_174 = tpu.memref_slice %arg3[%dma_start3A_169, %mul3A_19, %dma_start3A_173] : memref<8x50000x128xf32, #tpu.memory_space<hbm>> -> memref<1x400x128xf32, #tpu.memory_space<hbm>>
      %dma_start3A_175 = tpu.memref_squeeze %dma_start3A_174 : memref<1x400x128xf32, #tpu.memory_space<hbm>> -> memref<400x128xf32, #tpu.memory_space<hbm>>
      tpu.enqueue_dma source(%arg4 : memref<400x128xf32, #tpu.memory_space<vmem>>) target(%dma_start3A_175 : memref<400x128xf32, #tpu.memory_space<hbm>>) target_semaphore(%arg8 : memref<!tpu.dma_semaphore, #tpu.memory_space<semaphore_mem>>)
      %dma_start3A_176 = arith.constant 5 : i32
      %dma_start3A_177 = arith.constant 0 : i32
      %dma_start3A_178 = tpu.memref_slice %arg3[%dma_start3A_176, %mul3A_19, %dma_start3A_177] : memref<8x50000x128xf32, #tpu.memory_space<hbm>> -> memref<1x400x128xf32, #tpu.memory_space<hbm>>
      %dma_start3A_179 = tpu.memref_squeeze %dma_start3A_178 : memref<1x400x128xf32, #tpu.memory_space<hbm>> -> memref<400x128xf32, #tpu.memory_space<hbm>>
      %dma_start3A_180 = arith.constant 0 : i32
      %dma_start3A_181 = tpu.memref_slice %arg3[%dma_start3A_176, %mul3A_19, %dma_start3A_180] : memref<8x50000x128xf32, #tpu.memory_space<hbm>> -> memref<1x400x128xf32, #tpu.memory_space<hbm>>
      %dma_start3A_182 = tpu.memref_squeeze %dma_start3A_181 : memref<1x400x128xf32, #tpu.memory_space<hbm>> -> memref<400x128xf32, #tpu.memory_space<hbm>>
      tpu.enqueue_dma source(%arg4 : memref<400x128xf32, #tpu.memory_space<vmem>>) target(%dma_start3A_182 : memref<400x128xf32, #tpu.memory_space<hbm>>) target_semaphore(%arg8 : memref<!tpu.dma_semaphore, #tpu.memory_space<semaphore_mem>>)
      %dma_start3A_183 = arith.constant 6 : i32
      %dma_start3A_184 = arith.constant 0 : i32
      %dma_start3A_185 = tpu.memref_slice %arg3[%dma_start3A_183, %mul3A_19, %dma_start3A_184] : memref<8x50000x128xf32, #tpu.memory_space<hbm>> -> memref<1x400x128xf32, #tpu.memory_space<hbm>>
      %dma_start3A_186 = tpu.memref_squeeze %dma_start3A_185 : memref<1x400x128xf32, #tpu.memory_space<hbm>> -> memref<400x128xf32, #tpu.memory_space<hbm>>
      %dma_start3A_187 = arith.constant 0 : i32
      %dma_start3A_188 = tpu.memref_slice %arg3[%dma_start3A_183, %mul3A_19, %dma_start3A_187] : memref<8x50000x128xf32, #tpu.memory_space<hbm>> -> memref<1x400x128xf32, #tpu.memory_space<hbm>>
      %dma_start3A_189 = tpu.memref_squeeze %dma_start3A_188 : memref<1x400x128xf32, #tpu.memory_space<hbm>> -> memref<400x128xf32, #tpu.memory_space<hbm>>
      tpu.enqueue_dma source(%arg4 : memref<400x128xf32, #tpu.memory_space<vmem>>) target(%dma_start3A_189 : memref<400x128xf32, #tpu.memory_space<hbm>>) target_semaphore(%arg8 : memref<!tpu.dma_semaphore, #tpu.memory_space<semaphore_mem>>)
      %dma_start3A_190 = arith.constant 7 : i32
      %dma_start3A_191 = arith.constant 0 : i32
      %dma_start3A_192 = tpu.memref_slice %arg3[%dma_start3A_190, %mul3A_19, %dma_start3A_191] : memref<8x50000x128xf32, #tpu.memory_space<hbm>> -> memref<1x400x128xf32, #tpu.memory_space<hbm>>
      %dma_start3A_193 = tpu.memref_squeeze %dma_start3A_192 : memref<1x400x128xf32, #tpu.memory_space<hbm>> -> memref<400x128xf32, #tpu.memory_space<hbm>>
      %dma_start3A_194 = arith.constant 0 : i32
      %dma_start3A_195 = tpu.memref_slice %arg3[%dma_start3A_190, %mul3A_19, %dma_start3A_194] : memref<8x50000x128xf32, #tpu.memory_space<hbm>> -> memref<1x400x128xf32, #tpu.memory_space<hbm>>
      %dma_start3A_196 = tpu.memref_squeeze %dma_start3A_195 : memref<1x400x128xf32, #tpu.memory_space<hbm>> -> memref<400x128xf32, #tpu.memory_space<hbm>>
      tpu.enqueue_dma source(%arg4 : memref<400x128xf32, #tpu.memory_space<vmem>>) target(%dma_start3A_196 : memref<400x128xf32, #tpu.memory_space<hbm>>) target_semaphore(%arg8 : memref<!tpu.dma_semaphore, #tpu.memory_space<semaphore_mem>>)
    } else {
    }
    %add3A_25 = arith.constant 32 : i32
    %add3A_26 = arith.addi %add3A, %add3A_25 : i32
    %mul3A_27 = arith.constant 400 : i32
    %mul3A_28 = arith.muli %add3A_26, %mul3A_27 : i32
    %lt3A_29 = arith.constant 125 : i32
    %lt3A_30 = arith.cmpi slt, %add3A_26, %lt3A_29 : i32
    %convert_element_type3A_31 = arith.extui %lt3A_30 : i1 to i32
    %cond3A_32 = arith.constant 0 : i32
    %cond3A_33 = arith.cmpi ne, %convert_element_type3A_31, %cond3A_32 : i32
    scf.if %cond3A_33 {
      %dma_start3A = arith.constant 0 : i32
      %dma_start3A_142 = tpu.memref_slice %arg2[%mul3A_28, %dma_start3A] : memref<50000x128xf32, #tpu.memory_space<hbm>> -> memref<400x128xf32, #tpu.memory_space<hbm>>
      %dma_start3A_143 = arith.constant 0 : i32
      %dma_start3A_144 = tpu.memref_slice %arg2[%mul3A_28, %dma_start3A_143] : memref<50000x128xf32, #tpu.memory_space<hbm>> -> memref<400x128xf32, #tpu.memory_space<hbm>>
      tpu.enqueue_dma source(%dma_start3A_144 : memref<400x128xf32, #tpu.memory_space<hbm>>) target(%arg5 : memref<400x128xf32, #tpu.memory_space<vmem>>) target_semaphore(%arg7 : memref<!tpu.dma_semaphore, #tpu.memory_space<semaphore_mem>>)
    } else {
    }
    %add3A_34 = arith.constant 32 : i32
    %add3A_35 = arith.addi %add3A, %add3A_34 : i32
    %mul3A_36 = arith.constant 400 : i32
    %mul3A_37 = arith.muli %add3A_35, %mul3A_36 : i32
    %lt3A_38 = arith.constant 125 : i32
    %lt3A_39 = arith.cmpi slt, %add3A_35, %lt3A_38 : i32
    %convert_element_type3A_40 = arith.extui %lt3A_39 : i1 to i32
    %cond3A_41 = arith.constant 0 : i32
    %cond3A_42 = arith.cmpi ne, %convert_element_type3A_40, %cond3A_41 : i32
    scf.if %cond3A_42 {
      %dma_wait3A = arith.constant 0 : i32
      %dma_wait3A_142 = tpu.memref_slice %arg2[%mul3A_37, %dma_wait3A] : memref<50000x128xf32, #tpu.memory_space<hbm>> -> memref<400x128xf32, #tpu.memory_space<hbm>>
      %dma_wait3A_143 = arith.constant 0 : i32
      %dma_wait3A_144 = tpu.memref_slice %arg2[%mul3A_37, %dma_wait3A_143] : memref<50000x128xf32, #tpu.memory_space<hbm>> -> memref<400x128xf32, #tpu.memory_space<hbm>>
      tpu.wait_dma2 semaphore(%arg7 : memref<!tpu.dma_semaphore, #tpu.memory_space<semaphore_mem>>) src(%dma_wait3A_144 : memref<400x128xf32, #tpu.memory_space<hbm>>) dst(%arg5 : memref<400x128xf32, #tpu.memory_space<vmem>>)
    } else {
    }
    %add3A_43 = arith.constant 32 : i32
    %add3A_44 = arith.addi %add3A, %add3A_43 : i32
    %mul3A_45 = arith.constant 400 : i32
    %mul3A_46 = arith.muli %add3A_44, %mul3A_45 : i32
    %lt3A_47 = arith.constant 125 : i32
    %lt3A_48 = arith.cmpi slt, %add3A_44, %lt3A_47 : i32
    %convert_element_type3A_49 = arith.extui %lt3A_48 : i1 to i32
    %cond3A_50 = arith.constant 0 : i32
    %cond3A_51 = arith.cmpi ne, %convert_element_type3A_49, %cond3A_50 : i32
    scf.if %cond3A_51 {
      %dma_start3A = arith.constant 0 : i32
      %dma_start3A_142 = arith.constant 0 : i32
      %dma_start3A_143 = tpu.memref_slice %arg3[%dma_start3A, %mul3A_46, %dma_start3A_142] : memref<8x50000x128xf32, #tpu.memory_space<hbm>> -> memref<1x400x128xf32, #tpu.memory_space<hbm>>
      %dma_start3A_144 = tpu.memref_squeeze %dma_start3A_143 : memref<1x400x128xf32, #tpu.memory_space<hbm>> -> memref<400x128xf32, #tpu.memory_space<hbm>>
      %dma_start3A_145 = arith.constant 0 : i32
      %dma_start3A_146 = tpu.memref_slice %arg3[%dma_start3A, %mul3A_46, %dma_start3A_145] : memref<8x50000x128xf32, #tpu.memory_space<hbm>> -> memref<1x400x128xf32, #tpu.memory_space<hbm>>
      %dma_start3A_147 = tpu.memref_squeeze %dma_start3A_146 : memref<1x400x128xf32, #tpu.memory_space<hbm>> -> memref<400x128xf32, #tpu.memory_space<hbm>>
      tpu.enqueue_dma source(%arg5 : memref<400x128xf32, #tpu.memory_space<vmem>>) target(%dma_start3A_147 : memref<400x128xf32, #tpu.memory_space<hbm>>) target_semaphore(%arg9 : memref<!tpu.dma_semaphore, #tpu.memory_space<semaphore_mem>>)
      %dma_start3A_148 = arith.constant 1 : i32
      %dma_start3A_149 = arith.constant 0 : i32
      %dma_start3A_150 = tpu.memref_slice %arg3[%dma_start3A_148, %mul3A_46, %dma_start3A_149] : memref<8x50000x128xf32, #tpu.memory_space<hbm>> -> memref<1x400x128xf32, #tpu.memory_space<hbm>>
      %dma_start3A_151 = tpu.memref_squeeze %dma_start3A_150 : memref<1x400x128xf32, #tpu.memory_space<hbm>> -> memref<400x128xf32, #tpu.memory_space<hbm>>
      %dma_start3A_152 = arith.constant 0 : i32
      %dma_start3A_153 = tpu.memref_slice %arg3[%dma_start3A_148, %mul3A_46, %dma_start3A_152] : memref<8x50000x128xf32, #tpu.memory_space<hbm>> -> memref<1x400x128xf32, #tpu.memory_space<hbm>>
      %dma_start3A_154 = tpu.memref_squeeze %dma_start3A_153 : memref<1x400x128xf32, #tpu.memory_space<hbm>> -> memref<400x128xf32, #tpu.memory_space<hbm>>
      tpu.enqueue_dma source(%arg5 : memref<400x128xf32, #tpu.memory_space<vmem>>) target(%dma_start3A_154 : memref<400x128xf32, #tpu.memory_space<hbm>>) target_semaphore(%arg9 : memref<!tpu.dma_semaphore, #tpu.memory_space<semaphore_mem>>)
      %dma_start3A_155 = arith.constant 2 : i32
      %dma_start3A_156 = arith.constant 0 : i32
      %dma_start3A_157 = tpu.memref_slice %arg3[%dma_start3A_155, %mul3A_46, %dma_start3A_156] : memref<8x50000x128xf32, #tpu.memory_space<hbm>> -> memref<1x400x128xf32, #tpu.memory_space<hbm>>
      %dma_start3A_158 = tpu.memref_squeeze %dma_start3A_157 : memref<1x400x128xf32, #tpu.memory_space<hbm>> -> memref<400x128xf32, #tpu.memory_space<hbm>>
      %dma_start3A_159 = arith.constant 0 : i32
      %dma_start3A_160 = tpu.memref_slice %arg3[%dma_start3A_155, %mul3A_46, %dma_start3A_159] : memref<8x50000x128xf32, #tpu.memory_space<hbm>> -> memref<1x400x128xf32, #tpu.memory_space<hbm>>
      %dma_start3A_161 = tpu.memref_squeeze %dma_start3A_160 : memref<1x400x128xf32, #tpu.memory_space<hbm>> -> memref<400x128xf32, #tpu.memory_space<hbm>>
      tpu.enqueue_dma source(%arg5 : memref<400x128xf32, #tpu.memory_space<vmem>>) target(%dma_start3A_161 : memref<400x128xf32, #tpu.memory_space<hbm>>) target_semaphore(%arg9 : memref<!tpu.dma_semaphore, #tpu.memory_space<semaphore_mem>>)
      %dma_start3A_162 = arith.constant 3 : i32
      %dma_start3A_163 = arith.constant 0 : i32
      %dma_start3A_164 = tpu.memref_slice %arg3[%dma_start3A_162, %mul3A_46, %dma_start3A_163] : memref<8x50000x128xf32, #tpu.memory_space<hbm>> -> memref<1x400x128xf32, #tpu.memory_space<hbm>>
      %dma_start3A_165 = tpu.memref_squeeze %dma_start3A_164 : memref<1x400x128xf32, #tpu.memory_space<hbm>> -> memref<400x128xf32, #tpu.memory_space<hbm>>
      %dma_start3A_166 = arith.constant 0 : i32
      %dma_start3A_167 = tpu.memref_slice %arg3[%dma_start3A_162, %mul3A_46, %dma_start3A_166] : memref<8x50000x128xf32, #tpu.memory_space<hbm>> -> memref<1x400x128xf32, #tpu.memory_space<hbm>>
      %dma_start3A_168 = tpu.memref_squeeze %dma_start3A_167 : memref<1x400x128xf32, #tpu.memory_space<hbm>> -> memref<400x128xf32, #tpu.memory_space<hbm>>
      tpu.enqueue_dma source(%arg5 : memref<400x128xf32, #tpu.memory_space<vmem>>) target(%dma_start3A_168 : memref<400x128xf32, #tpu.memory_space<hbm>>) target_semaphore(%arg9 : memref<!tpu.dma_semaphore, #tpu.memory_space<semaphore_mem>>)
      %dma_start3A_169 = arith.constant 4 : i32
      %dma_start3A_170 = arith.constant 0 : i32
      %dma_start3A_171 = tpu.memref_slice %arg3[%dma_start3A_169, %mul3A_46, %dma_start3A_170] : memref<8x50000x128xf32, #tpu.memory_space<hbm>> -> memref<1x400x128xf32, #tpu.memory_space<hbm>>
      %dma_start3A_172 = tpu.memref_squeeze %dma_start3A_171 : memref<1x400x128xf32, #tpu.memory_space<hbm>> -> memref<400x128xf32, #tpu.memory_space<hbm>>
      %dma_start3A_173 = arith.constant 0 : i32
      %dma_start3A_174 = tpu.memref_slice %arg3[%dma_start3A_169, %mul3A_46, %dma_start3A_173] : memref<8x50000x128xf32, #tpu.memory_space<hbm>> -> memref<1x400x128xf32, #tpu.memory_space<hbm>>
      %dma_start3A_175 = tpu.memref_squeeze %dma_start3A_174 : memref<1x400x128xf32, #tpu.memory_space<hbm>> -> memref<400x128xf32, #tpu.memory_space<hbm>>
      tpu.enqueue_dma source(%arg5 : memref<400x128xf32, #tpu.memory_space<vmem>>) target(%dma_start3A_175 : memref<400x128xf32, #tpu.memory_space<hbm>>) target_semaphore(%arg9 : memref<!tpu.dma_semaphore, #tpu.memory_space<semaphore_mem>>)
      %dma_start3A_176 = arith.constant 5 : i32
      %dma_start3A_177 = arith.constant 0 : i32
      %dma_start3A_178 = tpu.memref_slice %arg3[%dma_start3A_176, %mul3A_46, %dma_start3A_177] : memref<8x50000x128xf32, #tpu.memory_space<hbm>> -> memref<1x400x128xf32, #tpu.memory_space<hbm>>
      %dma_start3A_179 = tpu.memref_squeeze %dma_start3A_178 : memref<1x400x128xf32, #tpu.memory_space<hbm>> -> memref<400x128xf32, #tpu.memory_space<hbm>>
      %dma_start3A_180 = arith.constant 0 : i32
      %dma_start3A_181 = tpu.memref_slice %arg3[%dma_start3A_176, %mul3A_46, %dma_start3A_180] : memref<8x50000x128xf32, #tpu.memory_space<hbm>> -> memref<1x400x128xf32, #tpu.memory_space<hbm>>
      %dma_start3A_182 = tpu.memref_squeeze %dma_start3A_181 : memref<1x400x128xf32, #tpu.memory_space<hbm>> -> memref<400x128xf32, #tpu.memory_space<hbm>>
      tpu.enqueue_dma source(%arg5 : memref<400x128xf32, #tpu.memory_space<vmem>>) target(%dma_start3A_182 : memref<400x128xf32, #tpu.memory_space<hbm>>) target_semaphore(%arg9 : memref<!tpu.dma_semaphore, #tpu.memory_space<semaphore_mem>>)
      %dma_start3A_183 = arith.constant 6 : i32
      %dma_start3A_184 = arith.constant 0 : i32
      %dma_start3A_185 = tpu.memref_slice %arg3[%dma_start3A_183, %mul3A_46, %dma_start3A_184] : memref<8x50000x128xf32, #tpu.memory_space<hbm>> -> memref<1x400x128xf32, #tpu.memory_space<hbm>>
      %dma_start3A_186 = tpu.memref_squeeze %dma_start3A_185 : memref<1x400x128xf32, #tpu.memory_space<hbm>> -> memref<400x128xf32, #tpu.memory_space<hbm>>
      %dma_start3A_187 = arith.constant 0 : i32
      %dma_start3A_188 = tpu.memref_slice %arg3[%dma_start3A_183, %mul3A_46, %dma_start3A_187] : memref<8x50000x128xf32, #tpu.memory_space<hbm>> -> memref<1x400x128xf32, #tpu.memory_space<hbm>>
      %dma_start3A_189 = tpu.memref_squeeze %dma_start3A_188 : memref<1x400x128xf32, #tpu.memory_space<hbm>> -> memref<400x128xf32, #tpu.memory_space<hbm>>
      tpu.enqueue_dma source(%arg5 : memref<400x128xf32, #tpu.memory_space<vmem>>) target(%dma_start3A_189 : memref<400x128xf32, #tpu.memory_space<hbm>>) target_semaphore(%arg9 : memref<!tpu.dma_semaphore, #tpu.memory_space<semaphore_mem>>)
      %dma_start3A_190 = arith.constant 7 : i32
      %dma_start3A_191 = arith.constant 0 : i32
      %dma_start3A_192 = tpu.memref_slice %arg3[%dma_start3A_190, %mul3A_46, %dma_start3A_191] : memref<8x50000x128xf32, #tpu.memory_space<hbm>> -> memref<1x400x128xf32, #tpu.memory_space<hbm>>
      %dma_start3A_193 = tpu.memref_squeeze %dma_start3A_192 : memref<1x400x128xf32, #tpu.memory_space<hbm>> -> memref<400x128xf32, #tpu.memory_space<hbm>>
      %dma_start3A_194 = arith.constant 0 : i32
      %dma_start3A_195 = tpu.memref_slice %arg3[%dma_start3A_190, %mul3A_46, %dma_start3A_194] : memref<8x50000x128xf32, #tpu.memory_space<hbm>> -> memref<1x400x128xf32, #tpu.memory_space<hbm>>
      %dma_start3A_196 = tpu.memref_squeeze %dma_start3A_195 : memref<1x400x128xf32, #tpu.memory_space<hbm>> -> memref<400x128xf32, #tpu.memory_space<hbm>>
      tpu.enqueue_dma source(%arg5 : memref<400x128xf32, #tpu.memory_space<vmem>>) target(%dma_start3A_196 : memref<400x128xf32, #tpu.memory_space<hbm>>) target_semaphore(%arg9 : memref<!tpu.dma_semaphore, #tpu.memory_space<semaphore_mem>>)
    } else {
    }
    %add3A_52 = arith.constant 0 : i32
    %add3A_53 = arith.addi %add3A, %add3A_52 : i32
    %mul3A_54 = arith.constant 400 : i32
    %mul3A_55 = arith.muli %add3A_53, %mul3A_54 : i32
    %lt3A_56 = arith.constant 125 : i32
    %lt3A_57 = arith.cmpi slt, %add3A_53, %lt3A_56 : i32
    %convert_element_type3A_58 = arith.extui %lt3A_57 : i1 to i32
    %cond3A_59 = arith.constant 0 : i32
    %cond3A_60 = arith.cmpi ne, %convert_element_type3A_58, %cond3A_59 : i32
    scf.if %cond3A_60 {
      %dma_wait3A = arith.constant 0 : i32
      %dma_wait3A_142 = arith.constant 0 : i32
      %dma_wait3A_143 = tpu.memref_slice %arg3[%dma_wait3A, %mul3A_55, %dma_wait3A_142] : memref<8x50000x128xf32, #tpu.memory_space<hbm>> -> memref<1x400x128xf32, #tpu.memory_space<hbm>>
      %dma_wait3A_144 = tpu.memref_squeeze %dma_wait3A_143 : memref<1x400x128xf32, #tpu.memory_space<hbm>> -> memref<400x128xf32, #tpu.memory_space<hbm>>
      %dma_wait3A_145 = arith.constant 0 : i32
      %dma_wait3A_146 = tpu.memref_slice %arg3[%dma_wait3A, %mul3A_55, %dma_wait3A_145] : memref<8x50000x128xf32, #tpu.memory_space<hbm>> -> memref<1x400x128xf32, #tpu.memory_space<hbm>>
      %dma_wait3A_147 = tpu.memref_squeeze %dma_wait3A_146 : memref<1x400x128xf32, #tpu.memory_space<hbm>> -> memref<400x128xf32, #tpu.memory_space<hbm>>
      tpu.wait_dma2 semaphore(%arg8 : memref<!tpu.dma_semaphore, #tpu.memory_space<semaphore_mem>>) src(%arg4 : memref<400x128xf32, #tpu.memory_space<vmem>>) dst(%dma_wait3A_147 : memref<400x128xf32, #tpu.memory_space<hbm>>)
      %dma_wait3A_148 = arith.constant 1 : i32
      %dma_wait3A_149 = arith.constant 0 : i32
      %dma_wait3A_150 = tpu.memref_slice %arg3[%dma_wait3A_148, %mul3A_55, %dma_wait3A_149] : memref<8x50000x128xf32, #tpu.memory_space<hbm>> -> memref<1x400x128xf32, #tpu.memory_space<hbm>>
      %dma_wait3A_151 = tpu.memref_squeeze %dma_wait3A_150 : memref<1x400x128xf32, #tpu.memory_space<hbm>> -> memref<400x128xf32, #tpu.memory_space<hbm>>
      %dma_wait3A_152 = arith.constant 0 : i32
      %dma_wait3A_153 = tpu.memref_slice %arg3[%dma_wait3A_148, %mul3A_55, %dma_wait3A_152] : memref<8x50000x128xf32, #tpu.memory_space<hbm>> -> memref<1x400x128xf32, #tpu.memory_space<hbm>>
      %dma_wait3A_154 = tpu.memref_squeeze %dma_wait3A_153 : memref<1x400x128xf32, #tpu.memory_space<hbm>> -> memref<400x128xf32, #tpu.memory_space<hbm>>
      tpu.wait_dma2 semaphore(%arg8 : memref<!tpu.dma_semaphore, #tpu.memory_space<semaphore_mem>>) src(%arg4 : memref<400x128xf32, #tpu.memory_space<vmem>>) dst(%dma_wait3A_154 : memref<400x128xf32, #tpu.memory_space<hbm>>)
      %dma_wait3A_155 = arith.constant 2 : i32
      %dma_wait3A_156 = arith.constant 0 : i32
      %dma_wait3A_157 = tpu.memref_slice %arg3[%dma_wait3A_155, %mul3A_55, %dma_wait3A_156] : memref<8x50000x128xf32, #tpu.memory_space<hbm>> -> memref<1x400x128xf32, #tpu.memory_space<hbm>>
      %dma_wait3A_158 = tpu.memref_squeeze %dma_wait3A_157 : memref<1x400x128xf32, #tpu.memory_space<hbm>> -> memref<400x128xf32, #tpu.memory_space<hbm>>
      %dma_wait3A_159 = arith.constant 0 : i32
      %dma_wait3A_160 = tpu.memref_slice %arg3[%dma_wait3A_155, %mul3A_55, %dma_wait3A_159] : memref<8x50000x128xf32, #tpu.memory_space<hbm>> -> memref<1x400x128xf32, #tpu.memory_space<hbm>>
      %dma_wait3A_161 = tpu.memref_squeeze %dma_wait3A_160 : memref<1x400x128xf32, #tpu.memory_space<hbm>> -> memref<400x128xf32, #tpu.memory_space<hbm>>
      tpu.wait_dma2 semaphore(%arg8 : memref<!tpu.dma_semaphore, #tpu.memory_space<semaphore_mem>>) src(%arg4 : memref<400x128xf32, #tpu.memory_space<vmem>>) dst(%dma_wait3A_161 : memref<400x128xf32, #tpu.memory_space<hbm>>)
      %dma_wait3A_162 = arith.constant 3 : i32
      %dma_wait3A_163 = arith.constant 0 : i32
      %dma_wait3A_164 = tpu.memref_slice %arg3[%dma_wait3A_162, %mul3A_55, %dma_wait3A_163] : memref<8x50000x128xf32, #tpu.memory_space<hbm>> -> memref<1x400x128xf32, #tpu.memory_space<hbm>>
      %dma_wait3A_165 = tpu.memref_squeeze %dma_wait3A_164 : memref<1x400x128xf32, #tpu.memory_space<hbm>> -> memref<400x128xf32, #tpu.memory_space<hbm>>
      %dma_wait3A_166 = arith.constant 0 : i32
      %dma_wait3A_167 = tpu.memref_slice %arg3[%dma_wait3A_162, %mul3A_55, %dma_wait3A_166] : memref<8x50000x128xf32, #tpu.memory_space<hbm>> -> memref<1x400x128xf32, #tpu.memory_space<hbm>>
      %dma_wait3A_168 = tpu.memref_squeeze %dma_wait3A_167 : memref<1x400x128xf32, #tpu.memory_space<hbm>> -> memref<400x128xf32, #tpu.memory_space<hbm>>
      tpu.wait_dma2 semaphore(%arg8 : memref<!tpu.dma_semaphore, #tpu.memory_space<semaphore_mem>>) src(%arg4 : memref<400x128xf32, #tpu.memory_space<vmem>>) dst(%dma_wait3A_168 : memref<400x128xf32, #tpu.memory_space<hbm>>)
      %dma_wait3A_169 = arith.constant 4 : i32
      %dma_wait3A_170 = arith.constant 0 : i32
      %dma_wait3A_171 = tpu.memref_slice %arg3[%dma_wait3A_169, %mul3A_55, %dma_wait3A_170] : memref<8x50000x128xf32, #tpu.memory_space<hbm>> -> memref<1x400x128xf32, #tpu.memory_space<hbm>>
      %dma_wait3A_172 = tpu.memref_squeeze %dma_wait3A_171 : memref<1x400x128xf32, #tpu.memory_space<hbm>> -> memref<400x128xf32, #tpu.memory_space<hbm>>
      %dma_wait3A_173 = arith.constant 0 : i32
      %dma_wait3A_174 = tpu.memref_slice %arg3[%dma_wait3A_169, %mul3A_55, %dma_wait3A_173] : memref<8x50000x128xf32, #tpu.memory_space<hbm>> -> memref<1x400x128xf32, #tpu.memory_space<hbm>>
      %dma_wait3A_175 = tpu.memref_squeeze %dma_wait3A_174 : memref<1x400x128xf32, #tpu.memory_space<hbm>> -> memref<400x128xf32, #tpu.memory_space<hbm>>
      tpu.wait_dma2 semaphore(%arg8 : memref<!tpu.dma_semaphore, #tpu.memory_space<semaphore_mem>>) src(%arg4 : memref<400x128xf32, #tpu.memory_space<vmem>>) dst(%dma_wait3A_175 : memref<400x128xf32, #tpu.memory_space<hbm>>)
      %dma_wait3A_176 = arith.constant 5 : i32
      %dma_wait3A_177 = arith.constant 0 : i32
      %dma_wait3A_178 = tpu.memref_slice %arg3[%dma_wait3A_176, %mul3A_55, %dma_wait3A_177] : memref<8x50000x128xf32, #tpu.memory_space<hbm>> -> memref<1x400x128xf32, #tpu.memory_space<hbm>>
      %dma_wait3A_179 = tpu.memref_squeeze %dma_wait3A_178 : memref<1x400x128xf32, #tpu.memory_space<hbm>> -> memref<400x128xf32, #tpu.memory_space<hbm>>
      %dma_wait3A_180 = arith.constant 0 : i32
      %dma_wait3A_181 = tpu.memref_slice %arg3[%dma_wait3A_176, %mul3A_55, %dma_wait3A_180] : memref<8x50000x128xf32, #tpu.memory_space<hbm>> -> memref<1x400x128xf32, #tpu.memory_space<hbm>>
      %dma_wait3A_182 = tpu.memref_squeeze %dma_wait3A_181 : memref<1x400x128xf32, #tpu.memory_space<hbm>> -> memref<400x128xf32, #tpu.memory_space<hbm>>
      tpu.wait_dma2 semaphore(%arg8 : memref<!tpu.dma_semaphore, #tpu.memory_space<semaphore_mem>>) src(%arg4 : memref<400x128xf32, #tpu.memory_space<vmem>>) dst(%dma_wait3A_182 : memref<400x128xf32, #tpu.memory_space<hbm>>)
      %dma_wait3A_183 = arith.constant 6 : i32
      %dma_wait3A_184 = arith.constant 0 : i32
      %dma_wait3A_185 = tpu.memref_slice %arg3[%dma_wait3A_183, %mul3A_55, %dma_wait3A_184] : memref<8x50000x128xf32, #tpu.memory_space<hbm>> -> memref<1x400x128xf32, #tpu.memory_space<hbm>>
      %dma_wait3A_186 = tpu.memref_squeeze %dma_wait3A_185 : memref<1x400x128xf32, #tpu.memory_space<hbm>> -> memref<400x128xf32, #tpu.memory_space<hbm>>
      %dma_wait3A_187 = arith.constant 0 : i32
      %dma_wait3A_188 = tpu.memref_slice %arg3[%dma_wait3A_183, %mul3A_55, %dma_wait3A_187] : memref<8x50000x128xf32, #tpu.memory_space<hbm>> -> memref<1x400x128xf32, #tpu.memory_space<hbm>>
      %dma_wait3A_189 = tpu.memref_squeeze %dma_wait3A_188 : memref<1x400x128xf32, #tpu.memory_space<hbm>> -> memref<400x128xf32, #tpu.memory_space<hbm>>
      tpu.wait_dma2 semaphore(%arg8 : memref<!tpu.dma_semaphore, #tpu.memory_space<semaphore_mem>>) src(%arg4 : memref<400x128xf32, #tpu.memory_space<vmem>>) dst(%dma_wait3A_189 : memref<400x128xf32, #tpu.memory_space<hbm>>)
      %dma_wait3A_190 = arith.constant 7 : i32
      %dma_wait3A_191 = arith.constant 0 : i32
      %dma_wait3A_192 = tpu.memref_slice %arg3[%dma_wait3A_190, %mul3A_55, %dma_wait3A_191] : memref<8x50000x128xf32, #tpu.memory_space<hbm>> -> memref<1x400x128xf32, #tpu.memory_space<hbm>>
      %dma_wait3A_193 = tpu.memref_squeeze %dma_wait3A_192 : memref<1x400x128xf32, #tpu.memory_space<hbm>> -> memref<400x128xf32, #tpu.memory_space<hbm>>
      %dma_wait3A_194 = arith.constant 0 : i32
      %dma_wait3A_195 = tpu.memref_slice %arg3[%dma_wait3A_190, %mul3A_55, %dma_wait3A_194] : memref<8x50000x128xf32, #tpu.memory_space<hbm>> -> memref<1x400x128xf32, #tpu.memory_space<hbm>>
      %dma_wait3A_196 = tpu.memref_squeeze %dma_wait3A_195 : memref<1x400x128xf32, #tpu.memory_space<hbm>> -> memref<400x128xf32, #tpu.memory_space<hbm>>
      tpu.wait_dma2 semaphore(%arg8 : memref<!tpu.dma_semaphore, #tpu.memory_space<semaphore_mem>>) src(%arg4 : memref<400x128xf32, #tpu.memory_space<vmem>>) dst(%dma_wait3A_196 : memref<400x128xf32, #tpu.memory_space<hbm>>)
    } else {
    }
    %add3A_61 = arith.constant 64 : i32
    %add3A_62 = arith.addi %add3A, %add3A_61 : i32
    %mul3A_63 = arith.constant 400 : i32
    %mul3A_64 = arith.muli %add3A_62, %mul3A_63 : i32
    %lt3A_65 = arith.constant 125 : i32
    %lt3A_66 = arith.cmpi slt, %add3A_62, %lt3A_65 : i32
    %convert_element_type3A_67 = arith.extui %lt3A_66 : i1 to i32
    %cond3A_68 = arith.constant 0 : i32
    %cond3A_69 = arith.cmpi ne, %convert_element_type3A_67, %cond3A_68 : i32
    scf.if %cond3A_69 {
      %dma_start3A = arith.constant 0 : i32
      %dma_start3A_142 = tpu.memref_slice %arg2[%mul3A_64, %dma_start3A] : memref<50000x128xf32, #tpu.memory_space<hbm>> -> memref<400x128xf32, #tpu.memory_space<hbm>>
      %dma_start3A_143 = arith.constant 0 : i32
      %dma_start3A_144 = tpu.memref_slice %arg2[%mul3A_64, %dma_start3A_143] : memref<50000x128xf32, #tpu.memory_space<hbm>> -> memref<400x128xf32, #tpu.memory_space<hbm>>
      tpu.enqueue_dma source(%dma_start3A_144 : memref<400x128xf32, #tpu.memory_space<hbm>>) target(%arg4 : memref<400x128xf32, #tpu.memory_space<vmem>>) target_semaphore(%arg6 : memref<!tpu.dma_semaphore, #tpu.memory_space<semaphore_mem>>)
    } else {
    }
    %add3A_70 = arith.constant 64 : i32
    %add3A_71 = arith.addi %add3A, %add3A_70 : i32
    %mul3A_72 = arith.constant 400 : i32
    %mul3A_73 = arith.muli %add3A_71, %mul3A_72 : i32
    %lt3A_74 = arith.constant 125 : i32
    %lt3A_75 = arith.cmpi slt, %add3A_71, %lt3A_74 : i32
    %convert_element_type3A_76 = arith.extui %lt3A_75 : i1 to i32
    %cond3A_77 = arith.constant 0 : i32
    %cond3A_78 = arith.cmpi ne, %convert_element_type3A_76, %cond3A_77 : i32
    scf.if %cond3A_78 {
      %dma_wait3A = arith.constant 0 : i32
      %dma_wait3A_142 = tpu.memref_slice %arg2[%mul3A_73, %dma_wait3A] : memref<50000x128xf32, #tpu.memory_space<hbm>> -> memref<400x128xf32, #tpu.memory_space<hbm>>
      %dma_wait3A_143 = arith.constant 0 : i32
      %dma_wait3A_144 = tpu.memref_slice %arg2[%mul3A_73, %dma_wait3A_143] : memref<50000x128xf32, #tpu.memory_space<hbm>> -> memref<400x128xf32, #tpu.memory_space<hbm>>
      tpu.wait_dma2 semaphore(%arg6 : memref<!tpu.dma_semaphore, #tpu.memory_space<semaphore_mem>>) src(%dma_wait3A_144 : memref<400x128xf32, #tpu.memory_space<hbm>>) dst(%arg4 : memref<400x128xf32, #tpu.memory_space<vmem>>)
    } else {
    }
    %add3A_79 = arith.constant 64 : i32
    %add3A_80 = arith.addi %add3A, %add3A_79 : i32
    %mul3A_81 = arith.constant 400 : i32
    %mul3A_82 = arith.muli %add3A_80, %mul3A_81 : i32
    %lt3A_83 = arith.constant 125 : i32
    %lt3A_84 = arith.cmpi slt, %add3A_80, %lt3A_83 : i32
    %convert_element_type3A_85 = arith.extui %lt3A_84 : i1 to i32
    %cond3A_86 = arith.constant 0 : i32
    %cond3A_87 = arith.cmpi ne, %convert_element_type3A_85, %cond3A_86 : i32
    scf.if %cond3A_87 {
      %dma_start3A = arith.constant 0 : i32
      %dma_start3A_142 = arith.constant 0 : i32
      %dma_start3A_143 = tpu.memref_slice %arg3[%dma_start3A, %mul3A_82, %dma_start3A_142] : memref<8x50000x128xf32, #tpu.memory_space<hbm>> -> memref<1x400x128xf32, #tpu.memory_space<hbm>>
      %dma_start3A_144 = tpu.memref_squeeze %dma_start3A_143 : memref<1x400x128xf32, #tpu.memory_space<hbm>> -> memref<400x128xf32, #tpu.memory_space<hbm>>
      %dma_start3A_145 = arith.constant 0 : i32
      %dma_start3A_146 = tpu.memref_slice %arg3[%dma_start3A, %mul3A_82, %dma_start3A_145] : memref<8x50000x128xf32, #tpu.memory_space<hbm>> -> memref<1x400x128xf32, #tpu.memory_space<hbm>>
      %dma_start3A_147 = tpu.memref_squeeze %dma_start3A_146 : memref<1x400x128xf32, #tpu.memory_space<hbm>> -> memref<400x128xf32, #tpu.memory_space<hbm>>
      tpu.enqueue_dma source(%arg4 : memref<400x128xf32, #tpu.memory_space<vmem>>) target(%dma_start3A_147 : memref<400x128xf32, #tpu.memory_space<hbm>>) target_semaphore(%arg8 : memref<!tpu.dma_semaphore, #tpu.memory_space<semaphore_mem>>)
      %dma_start3A_148 = arith.constant 1 : i32
      %dma_start3A_149 = arith.constant 0 : i32
      %dma_start3A_150 = tpu.memref_slice %arg3[%dma_start3A_148, %mul3A_82, %dma_start3A_149] : memref<8x50000x128xf32, #tpu.memory_space<hbm>> -> memref<1x400x128xf32, #tpu.memory_space<hbm>>
      %dma_start3A_151 = tpu.memref_squeeze %dma_start3A_150 : memref<1x400x128xf32, #tpu.memory_space<hbm>> -> memref<400x128xf32, #tpu.memory_space<hbm>>
      %dma_start3A_152 = arith.constant 0 : i32
      %dma_start3A_153 = tpu.memref_slice %arg3[%dma_start3A_148, %mul3A_82, %dma_start3A_152] : memref<8x50000x128xf32, #tpu.memory_space<hbm>> -> memref<1x400x128xf32, #tpu.memory_space<hbm>>
      %dma_start3A_154 = tpu.memref_squeeze %dma_start3A_153 : memref<1x400x128xf32, #tpu.memory_space<hbm>> -> memref<400x128xf32, #tpu.memory_space<hbm>>
      tpu.enqueue_dma source(%arg4 : memref<400x128xf32, #tpu.memory_space<vmem>>) target(%dma_start3A_154 : memref<400x128xf32, #tpu.memory_space<hbm>>) target_semaphore(%arg8 : memref<!tpu.dma_semaphore, #tpu.memory_space<semaphore_mem>>)
      %dma_start3A_155 = arith.constant 2 : i32
      %dma_start3A_156 = arith.constant 0 : i32
      %dma_start3A_157 = tpu.memref_slice %arg3[%dma_start3A_155, %mul3A_82, %dma_start3A_156] : memref<8x50000x128xf32, #tpu.memory_space<hbm>> -> memref<1x400x128xf32, #tpu.memory_space<hbm>>
      %dma_start3A_158 = tpu.memref_squeeze %dma_start3A_157 : memref<1x400x128xf32, #tpu.memory_space<hbm>> -> memref<400x128xf32, #tpu.memory_space<hbm>>
      %dma_start3A_159 = arith.constant 0 : i32
      %dma_start3A_160 = tpu.memref_slice %arg3[%dma_start3A_155, %mul3A_82, %dma_start3A_159] : memref<8x50000x128xf32, #tpu.memory_space<hbm>> -> memref<1x400x128xf32, #tpu.memory_space<hbm>>
      %dma_start3A_161 = tpu.memref_squeeze %dma_start3A_160 : memref<1x400x128xf32, #tpu.memory_space<hbm>> -> memref<400x128xf32, #tpu.memory_space<hbm>>
      tpu.enqueue_dma source(%arg4 : memref<400x128xf32, #tpu.memory_space<vmem>>) target(%dma_start3A_161 : memref<400x128xf32, #tpu.memory_space<hbm>>) target_semaphore(%arg8 : memref<!tpu.dma_semaphore, #tpu.memory_space<semaphore_mem>>)
      %dma_start3A_162 = arith.constant 3 : i32
      %dma_start3A_163 = arith.constant 0 : i32
      %dma_start3A_164 = tpu.memref_slice %arg3[%dma_start3A_162, %mul3A_82, %dma_start3A_163] : memref<8x50000x128xf32, #tpu.memory_space<hbm>> -> memref<1x400x128xf32, #tpu.memory_space<hbm>>
      %dma_start3A_165 = tpu.memref_squeeze %dma_start3A_164 : memref<1x400x128xf32, #tpu.memory_space<hbm>> -> memref<400x128xf32, #tpu.memory_space<hbm>>
      %dma_start3A_166 = arith.constant 0 : i32
      %dma_start3A_167 = tpu.memref_slice %arg3[%dma_start3A_162, %mul3A_82, %dma_start3A_166] : memref<8x50000x128xf32, #tpu.memory_space<hbm>> -> memref<1x400x128xf32, #tpu.memory_space<hbm>>
      %dma_start3A_168 = tpu.memref_squeeze %dma_start3A_167 : memref<1x400x128xf32, #tpu.memory_space<hbm>> -> memref<400x128xf32, #tpu.memory_space<hbm>>
      tpu.enqueue_dma source(%arg4 : memref<400x128xf32, #tpu.memory_space<vmem>>) target(%dma_start3A_168 : memref<400x128xf32, #tpu.memory_space<hbm>>) target_semaphore(%arg8 : memref<!tpu.dma_semaphore, #tpu.memory_space<semaphore_mem>>)
      %dma_start3A_169 = arith.constant 4 : i32
      %dma_start3A_170 = arith.constant 0 : i32
      %dma_start3A_171 = tpu.memref_slice %arg3[%dma_start3A_169, %mul3A_82, %dma_start3A_170] : memref<8x50000x128xf32, #tpu.memory_space<hbm>> -> memref<1x400x128xf32, #tpu.memory_space<hbm>>
      %dma_start3A_172 = tpu.memref_squeeze %dma_start3A_171 : memref<1x400x128xf32, #tpu.memory_space<hbm>> -> memref<400x128xf32, #tpu.memory_space<hbm>>
      %dma_start3A_173 = arith.constant 0 : i32
      %dma_start3A_174 = tpu.memref_slice %arg3[%dma_start3A_169, %mul3A_82, %dma_start3A_173] : memref<8x50000x128xf32, #tpu.memory_space<hbm>> -> memref<1x400x128xf32, #tpu.memory_space<hbm>>
      %dma_start3A_175 = tpu.memref_squeeze %dma_start3A_174 : memref<1x400x128xf32, #tpu.memory_space<hbm>> -> memref<400x128xf32, #tpu.memory_space<hbm>>
      tpu.enqueue_dma source(%arg4 : memref<400x128xf32, #tpu.memory_space<vmem>>) target(%dma_start3A_175 : memref<400x128xf32, #tpu.memory_space<hbm>>) target_semaphore(%arg8 : memref<!tpu.dma_semaphore, #tpu.memory_space<semaphore_mem>>)
      %dma_start3A_176 = arith.constant 5 : i32
      %dma_start3A_177 = arith.constant 0 : i32
      %dma_start3A_178 = tpu.memref_slice %arg3[%dma_start3A_176, %mul3A_82, %dma_start3A_177] : memref<8x50000x128xf32, #tpu.memory_space<hbm>> -> memref<1x400x128xf32, #tpu.memory_space<hbm>>
      %dma_start3A_179 = tpu.memref_squeeze %dma_start3A_178 : memref<1x400x128xf32, #tpu.memory_space<hbm>> -> memref<400x128xf32, #tpu.memory_space<hbm>>
      %dma_start3A_180 = arith.constant 0 : i32
      %dma_start3A_181 = tpu.memref_slice %arg3[%dma_start3A_176, %mul3A_82, %dma_start3A_180] : memref<8x50000x128xf32, #tpu.memory_space<hbm>> -> memref<1x400x128xf32, #tpu.memory_space<hbm>>
      %dma_start3A_182 = tpu.memref_squeeze %dma_start3A_181 : memref<1x400x128xf32, #tpu.memory_space<hbm>> -> memref<400x128xf32, #tpu.memory_space<hbm>>
      tpu.enqueue_dma source(%arg4 : memref<400x128xf32, #tpu.memory_space<vmem>>) target(%dma_start3A_182 : memref<400x128xf32, #tpu.memory_space<hbm>>) target_semaphore(%arg8 : memref<!tpu.dma_semaphore, #tpu.memory_space<semaphore_mem>>)
      %dma_start3A_183 = arith.constant 6 : i32
      %dma_start3A_184 = arith.constant 0 : i32
      %dma_start3A_185 = tpu.memref_slice %arg3[%dma_start3A_183, %mul3A_82, %dma_start3A_184] : memref<8x50000x128xf32, #tpu.memory_space<hbm>> -> memref<1x400x128xf32, #tpu.memory_space<hbm>>
      %dma_start3A_186 = tpu.memref_squeeze %dma_start3A_185 : memref<1x400x128xf32, #tpu.memory_space<hbm>> -> memref<400x128xf32, #tpu.memory_space<hbm>>
      %dma_start3A_187 = arith.constant 0 : i32
      %dma_start3A_188 = tpu.memref_slice %arg3[%dma_start3A_183, %mul3A_82, %dma_start3A_187] : memref<8x50000x128xf32, #tpu.memory_space<hbm>> -> memref<1x400x128xf32, #tpu.memory_space<hbm>>
      %dma_start3A_189 = tpu.memref_squeeze %dma_start3A_188 : memref<1x400x128xf32, #tpu.memory_space<hbm>> -> memref<400x128xf32, #tpu.memory_space<hbm>>
      tpu.enqueue_dma source(%arg4 : memref<400x128xf32, #tpu.memory_space<vmem>>) target(%dma_start3A_189 : memref<400x128xf32, #tpu.memory_space<hbm>>) target_semaphore(%arg8 : memref<!tpu.dma_semaphore, #tpu.memory_space<semaphore_mem>>)
      %dma_start3A_190 = arith.constant 7 : i32
      %dma_start3A_191 = arith.constant 0 : i32
      %dma_start3A_192 = tpu.memref_slice %arg3[%dma_start3A_190, %mul3A_82, %dma_start3A_191] : memref<8x50000x128xf32, #tpu.memory_space<hbm>> -> memref<1x400x128xf32, #tpu.memory_space<hbm>>
      %dma_start3A_193 = tpu.memref_squeeze %dma_start3A_192 : memref<1x400x128xf32, #tpu.memory_space<hbm>> -> memref<400x128xf32, #tpu.memory_space<hbm>>
      %dma_start3A_194 = arith.constant 0 : i32
      %dma_start3A_195 = tpu.memref_slice %arg3[%dma_start3A_190, %mul3A_82, %dma_start3A_194] : memref<8x50000x128xf32, #tpu.memory_space<hbm>> -> memref<1x400x128xf32, #tpu.memory_space<hbm>>
      %dma_start3A_196 = tpu.memref_squeeze %dma_start3A_195 : memref<1x400x128xf32, #tpu.memory_space<hbm>> -> memref<400x128xf32, #tpu.memory_space<hbm>>
      tpu.enqueue_dma source(%arg4 : memref<400x128xf32, #tpu.memory_space<vmem>>) target(%dma_start3A_196 : memref<400x128xf32, #tpu.memory_space<hbm>>) target_semaphore(%arg8 : memref<!tpu.dma_semaphore, #tpu.memory_space<semaphore_mem>>)
    } else {
    }
    %add3A_88 = arith.constant 32 : i32
    %add3A_89 = arith.addi %add3A, %add3A_88 : i32
    %mul3A_90 = arith.constant 400 : i32
    %mul3A_91 = arith.muli %add3A_89, %mul3A_90 : i32
    %lt3A_92 = arith.constant 125 : i32
    %lt3A_93 = arith.cmpi slt, %add3A_89, %lt3A_92 : i32
    %convert_element_type3A_94 = arith.extui %lt3A_93 : i1 to i32
    %cond3A_95 = arith.constant 0 : i32
    %cond3A_96 = arith.cmpi ne, %convert_element_type3A_94, %cond3A_95 : i32
    scf.if %cond3A_96 {
      %dma_wait3A = arith.constant 0 : i32
      %dma_wait3A_142 = arith.constant 0 : i32
      %dma_wait3A_143 = tpu.memref_slice %arg3[%dma_wait3A, %mul3A_91, %dma_wait3A_142] : memref<8x50000x128xf32, #tpu.memory_space<hbm>> -> memref<1x400x128xf32, #tpu.memory_space<hbm>>
      %dma_wait3A_144 = tpu.memref_squeeze %dma_wait3A_143 : memref<1x400x128xf32, #tpu.memory_space<hbm>> -> memref<400x128xf32, #tpu.memory_space<hbm>>
      %dma_wait3A_145 = arith.constant 0 : i32
      %dma_wait3A_146 = tpu.memref_slice %arg3[%dma_wait3A, %mul3A_91, %dma_wait3A_145] : memref<8x50000x128xf32, #tpu.memory_space<hbm>> -> memref<1x400x128xf32, #tpu.memory_space<hbm>>
      %dma_wait3A_147 = tpu.memref_squeeze %dma_wait3A_146 : memref<1x400x128xf32, #tpu.memory_space<hbm>> -> memref<400x128xf32, #tpu.memory_space<hbm>>
      tpu.wait_dma2 semaphore(%arg9 : memref<!tpu.dma_semaphore, #tpu.memory_space<semaphore_mem>>) src(%arg5 : memref<400x128xf32, #tpu.memory_space<vmem>>) dst(%dma_wait3A_147 : memref<400x128xf32, #tpu.memory_space<hbm>>)
      %dma_wait3A_148 = arith.constant 1 : i32
      %dma_wait3A_149 = arith.constant 0 : i32
      %dma_wait3A_150 = tpu.memref_slice %arg3[%dma_wait3A_148, %mul3A_91, %dma_wait3A_149] : memref<8x50000x128xf32, #tpu.memory_space<hbm>> -> memref<1x400x128xf32, #tpu.memory_space<hbm>>
      %dma_wait3A_151 = tpu.memref_squeeze %dma_wait3A_150 : memref<1x400x128xf32, #tpu.memory_space<hbm>> -> memref<400x128xf32, #tpu.memory_space<hbm>>
      %dma_wait3A_152 = arith.constant 0 : i32
      %dma_wait3A_153 = tpu.memref_slice %arg3[%dma_wait3A_148, %mul3A_91, %dma_wait3A_152] : memref<8x50000x128xf32, #tpu.memory_space<hbm>> -> memref<1x400x128xf32, #tpu.memory_space<hbm>>
      %dma_wait3A_154 = tpu.memref_squeeze %dma_wait3A_153 : memref<1x400x128xf32, #tpu.memory_space<hbm>> -> memref<400x128xf32, #tpu.memory_space<hbm>>
      tpu.wait_dma2 semaphore(%arg9 : memref<!tpu.dma_semaphore, #tpu.memory_space<semaphore_mem>>) src(%arg5 : memref<400x128xf32, #tpu.memory_space<vmem>>) dst(%dma_wait3A_154 : memref<400x128xf32, #tpu.memory_space<hbm>>)
      %dma_wait3A_155 = arith.constant 2 : i32
      %dma_wait3A_156 = arith.constant 0 : i32
      %dma_wait3A_157 = tpu.memref_slice %arg3[%dma_wait3A_155, %mul3A_91, %dma_wait3A_156] : memref<8x50000x128xf32, #tpu.memory_space<hbm>> -> memref<1x400x128xf32, #tpu.memory_space<hbm>>
      %dma_wait3A_158 = tpu.memref_squeeze %dma_wait3A_157 : memref<1x400x128xf32, #tpu.memory_space<hbm>> -> memref<400x128xf32, #tpu.memory_space<hbm>>
      %dma_wait3A_159 = arith.constant 0 : i32
      %dma_wait3A_160 = tpu.memref_slice %arg3[%dma_wait3A_155, %mul3A_91, %dma_wait3A_159] : memref<8x50000x128xf32, #tpu.memory_space<hbm>> -> memref<1x400x128xf32, #tpu.memory_space<hbm>>
      %dma_wait3A_161 = tpu.memref_squeeze %dma_wait3A_160 : memref<1x400x128xf32, #tpu.memory_space<hbm>> -> memref<400x128xf32, #tpu.memory_space<hbm>>
      tpu.wait_dma2 semaphore(%arg9 : memref<!tpu.dma_semaphore, #tpu.memory_space<semaphore_mem>>) src(%arg5 : memref<400x128xf32, #tpu.memory_space<vmem>>) dst(%dma_wait3A_161 : memref<400x128xf32, #tpu.memory_space<hbm>>)
      %dma_wait3A_162 = arith.constant 3 : i32
      %dma_wait3A_163 = arith.constant 0 : i32
      %dma_wait3A_164 = tpu.memref_slice %arg3[%dma_wait3A_162, %mul3A_91, %dma_wait3A_163] : memref<8x50000x128xf32, #tpu.memory_space<hbm>> -> memref<1x400x128xf32, #tpu.memory_space<hbm>>
      %dma_wait3A_165 = tpu.memref_squeeze %dma_wait3A_164 : memref<1x400x128xf32, #tpu.memory_space<hbm>> -> memref<400x128xf32, #tpu.memory_space<hbm>>
      %dma_wait3A_166 = arith.constant 0 : i32
      %dma_wait3A_167 = tpu.memref_slice %arg3[%dma_wait3A_162, %mul3A_91, %dma_wait3A_166] : memref<8x50000x128xf32, #tpu.memory_space<hbm>> -> memref<1x400x128xf32, #tpu.memory_space<hbm>>
      %dma_wait3A_168 = tpu.memref_squeeze %dma_wait3A_167 : memref<1x400x128xf32, #tpu.memory_space<hbm>> -> memref<400x128xf32, #tpu.memory_space<hbm>>
      tpu.wait_dma2 semaphore(%arg9 : memref<!tpu.dma_semaphore, #tpu.memory_space<semaphore_mem>>) src(%arg5 : memref<400x128xf32, #tpu.memory_space<vmem>>) dst(%dma_wait3A_168 : memref<400x128xf32, #tpu.memory_space<hbm>>)
      %dma_wait3A_169 = arith.constant 4 : i32
      %dma_wait3A_170 = arith.constant 0 : i32
      %dma_wait3A_171 = tpu.memref_slice %arg3[%dma_wait3A_169, %mul3A_91, %dma_wait3A_170] : memref<8x50000x128xf32, #tpu.memory_space<hbm>> -> memref<1x400x128xf32, #tpu.memory_space<hbm>>
      %dma_wait3A_172 = tpu.memref_squeeze %dma_wait3A_171 : memref<1x400x128xf32, #tpu.memory_space<hbm>> -> memref<400x128xf32, #tpu.memory_space<hbm>>
      %dma_wait3A_173 = arith.constant 0 : i32
      %dma_wait3A_174 = tpu.memref_slice %arg3[%dma_wait3A_169, %mul3A_91, %dma_wait3A_173] : memref<8x50000x128xf32, #tpu.memory_space<hbm>> -> memref<1x400x128xf32, #tpu.memory_space<hbm>>
      %dma_wait3A_175 = tpu.memref_squeeze %dma_wait3A_174 : memref<1x400x128xf32, #tpu.memory_space<hbm>> -> memref<400x128xf32, #tpu.memory_space<hbm>>
      tpu.wait_dma2 semaphore(%arg9 : memref<!tpu.dma_semaphore, #tpu.memory_space<semaphore_mem>>) src(%arg5 : memref<400x128xf32, #tpu.memory_space<vmem>>) dst(%dma_wait3A_175 : memref<400x128xf32, #tpu.memory_space<hbm>>)
      %dma_wait3A_176 = arith.constant 5 : i32
      %dma_wait3A_177 = arith.constant 0 : i32
      %dma_wait3A_178 = tpu.memref_slice %arg3[%dma_wait3A_176, %mul3A_91, %dma_wait3A_177] : memref<8x50000x128xf32, #tpu.memory_space<hbm>> -> memref<1x400x128xf32, #tpu.memory_space<hbm>>
      %dma_wait3A_179 = tpu.memref_squeeze %dma_wait3A_178 : memref<1x400x128xf32, #tpu.memory_space<hbm>> -> memref<400x128xf32, #tpu.memory_space<hbm>>
      %dma_wait3A_180 = arith.constant 0 : i32
      %dma_wait3A_181 = tpu.memref_slice %arg3[%dma_wait3A_176, %mul3A_91, %dma_wait3A_180] : memref<8x50000x128xf32, #tpu.memory_space<hbm>> -> memref<1x400x128xf32, #tpu.memory_space<hbm>>
      %dma_wait3A_182 = tpu.memref_squeeze %dma_wait3A_181 : memref<1x400x128xf32, #tpu.memory_space<hbm>> -> memref<400x128xf32, #tpu.memory_space<hbm>>
      tpu.wait_dma2 semaphore(%arg9 : memref<!tpu.dma_semaphore, #tpu.memory_space<semaphore_mem>>) src(%arg5 : memref<400x128xf32, #tpu.memory_space<vmem>>) dst(%dma_wait3A_182 : memref<400x128xf32, #tpu.memory_space<hbm>>)
      %dma_wait3A_183 = arith.constant 6 : i32
      %dma_wait3A_184 = arith.constant 0 : i32
      %dma_wait3A_185 = tpu.memref_slice %arg3[%dma_wait3A_183, %mul3A_91, %dma_wait3A_184] : memref<8x50000x128xf32, #tpu.memory_space<hbm>> -> memref<1x400x128xf32, #tpu.memory_space<hbm>>
      %dma_wait3A_186 = tpu.memref_squeeze %dma_wait3A_185 : memref<1x400x128xf32, #tpu.memory_space<hbm>> -> memref<400x128xf32, #tpu.memory_space<hbm>>
      %dma_wait3A_187 = arith.constant 0 : i32
      %dma_wait3A_188 = tpu.memref_slice %arg3[%dma_wait3A_183, %mul3A_91, %dma_wait3A_187] : memref<8x50000x128xf32, #tpu.memory_space<hbm>> -> memref<1x400x128xf32, #tpu.memory_space<hbm>>
      %dma_wait3A_189 = tpu.memref_squeeze %dma_wait3A_188 : memref<1x400x128xf32, #tpu.memory_space<hbm>> -> memref<400x128xf32, #tpu.memory_space<hbm>>
      tpu.wait_dma2 semaphore(%arg9 : memref<!tpu.dma_semaphore, #tpu.memory_space<semaphore_mem>>) src(%arg5 : memref<400x128xf32, #tpu.memory_space<vmem>>) dst(%dma_wait3A_189 : memref<400x128xf32, #tpu.memory_space<hbm>>)
      %dma_wait3A_190 = arith.constant 7 : i32
      %dma_wait3A_191 = arith.constant 0 : i32
      %dma_wait3A_192 = tpu.memref_slice %arg3[%dma_wait3A_190, %mul3A_91, %dma_wait3A_191] : memref<8x50000x128xf32, #tpu.memory_space<hbm>> -> memref<1x400x128xf32, #tpu.memory_space<hbm>>
      %dma_wait3A_193 = tpu.memref_squeeze %dma_wait3A_192 : memref<1x400x128xf32, #tpu.memory_space<hbm>> -> memref<400x128xf32, #tpu.memory_space<hbm>>
      %dma_wait3A_194 = arith.constant 0 : i32
      %dma_wait3A_195 = tpu.memref_slice %arg3[%dma_wait3A_190, %mul3A_91, %dma_wait3A_194] : memref<8x50000x128xf32, #tpu.memory_space<hbm>> -> memref<1x400x128xf32, #tpu.memory_space<hbm>>
      %dma_wait3A_196 = tpu.memref_squeeze %dma_wait3A_195 : memref<1x400x128xf32, #tpu.memory_space<hbm>> -> memref<400x128xf32, #tpu.memory_space<hbm>>
      tpu.wait_dma2 semaphore(%arg9 : memref<!tpu.dma_semaphore, #tpu.memory_space<semaphore_mem>>) src(%arg5 : memref<400x128xf32, #tpu.memory_space<vmem>>) dst(%dma_wait3A_196 : memref<400x128xf32, #tpu.memory_space<hbm>>)
    } else {
    }
    %add3A_97 = arith.constant 96 : i32
    %add3A_98 = arith.addi %add3A, %add3A_97 : i32
    %mul3A_99 = arith.constant 400 : i32
    %mul3A_100 = arith.muli %add3A_98, %mul3A_99 : i32
    %lt3A_101 = arith.constant 125 : i32
    %lt3A_102 = arith.cmpi slt, %add3A_98, %lt3A_101 : i32
    %convert_element_type3A_103 = arith.extui %lt3A_102 : i1 to i32
    %cond3A_104 = arith.constant 0 : i32
    %cond3A_105 = arith.cmpi ne, %convert_element_type3A_103, %cond3A_104 : i32
    scf.if %cond3A_105 {
      %dma_start3A = arith.constant 0 : i32
      %dma_start3A_142 = tpu.memref_slice %arg2[%mul3A_100, %dma_start3A] : memref<50000x128xf32, #tpu.memory_space<hbm>> -> memref<400x128xf32, #tpu.memory_space<hbm>>
      %dma_start3A_143 = arith.constant 0 : i32
      %dma_start3A_144 = tpu.memref_slice %arg2[%mul3A_100, %dma_start3A_143] : memref<50000x128xf32, #tpu.memory_space<hbm>> -> memref<400x128xf32, #tpu.memory_space<hbm>>
      tpu.enqueue_dma source(%dma_start3A_144 : memref<400x128xf32, #tpu.memory_space<hbm>>) target(%arg5 : memref<400x128xf32, #tpu.memory_space<vmem>>) target_semaphore(%arg7 : memref<!tpu.dma_semaphore, #tpu.memory_space<semaphore_mem>>)
    } else {
    }
    %add3A_106 = arith.constant 96 : i32
    %add3A_107 = arith.addi %add3A, %add3A_106 : i32
    %mul3A_108 = arith.constant 400 : i32
    %mul3A_109 = arith.muli %add3A_107, %mul3A_108 : i32
    %lt3A_110 = arith.constant 125 : i32
    %lt3A_111 = arith.cmpi slt, %add3A_107, %lt3A_110 : i32
    %convert_element_type3A_112 = arith.extui %lt3A_111 : i1 to i32
    %cond3A_113 = arith.constant 0 : i32
    %cond3A_114 = arith.cmpi ne, %convert_element_type3A_112, %cond3A_113 : i32
    scf.if %cond3A_114 {
      %dma_wait3A = arith.constant 0 : i32
      %dma_wait3A_142 = tpu.memref_slice %arg2[%mul3A_109, %dma_wait3A] : memref<50000x128xf32, #tpu.memory_space<hbm>> -> memref<400x128xf32, #tpu.memory_space<hbm>>
      %dma_wait3A_143 = arith.constant 0 : i32
      %dma_wait3A_144 = tpu.memref_slice %arg2[%mul3A_109, %dma_wait3A_143] : memref<50000x128xf32, #tpu.memory_space<hbm>> -> memref<400x128xf32, #tpu.memory_space<hbm>>
      tpu.wait_dma2 semaphore(%arg7 : memref<!tpu.dma_semaphore, #tpu.memory_space<semaphore_mem>>) src(%dma_wait3A_144 : memref<400x128xf32, #tpu.memory_space<hbm>>) dst(%arg5 : memref<400x128xf32, #tpu.memory_space<vmem>>)
    } else {
    }
    %add3A_115 = arith.constant 96 : i32
    %add3A_116 = arith.addi %add3A, %add3A_115 : i32
    %mul3A_117 = arith.constant 400 : i32
    %mul3A_118 = arith.muli %add3A_116, %mul3A_117 : i32
    %lt3A_119 = arith.constant 125 : i32
    %lt3A_120 = arith.cmpi slt, %add3A_116, %lt3A_119 : i32
    %convert_element_type3A_121 = arith.extui %lt3A_120 : i1 to i32
    %cond3A_122 = arith.constant 0 : i32
    %cond3A_123 = arith.cmpi ne, %convert_element_type3A_121, %cond3A_122 : i32
    scf.if %cond3A_123 {
      %dma_start3A = arith.constant 0 : i32
      %dma_start3A_142 = arith.constant 0 : i32
      %dma_start3A_143 = tpu.memref_slice %arg3[%dma_start3A, %mul3A_118, %dma_start3A_142] : memref<8x50000x128xf32, #tpu.memory_space<hbm>> -> memref<1x400x128xf32, #tpu.memory_space<hbm>>
      %dma_start3A_144 = tpu.memref_squeeze %dma_start3A_143 : memref<1x400x128xf32, #tpu.memory_space<hbm>> -> memref<400x128xf32, #tpu.memory_space<hbm>>
      %dma_start3A_145 = arith.constant 0 : i32
      %dma_start3A_146 = tpu.memref_slice %arg3[%dma_start3A, %mul3A_118, %dma_start3A_145] : memref<8x50000x128xf32, #tpu.memory_space<hbm>> -> memref<1x400x128xf32, #tpu.memory_space<hbm>>
      %dma_start3A_147 = tpu.memref_squeeze %dma_start3A_146 : memref<1x400x128xf32, #tpu.memory_space<hbm>> -> memref<400x128xf32, #tpu.memory_space<hbm>>
      tpu.enqueue_dma source(%arg5 : memref<400x128xf32, #tpu.memory_space<vmem>>) target(%dma_start3A_147 : memref<400x128xf32, #tpu.memory_space<hbm>>) target_semaphore(%arg9 : memref<!tpu.dma_semaphore, #tpu.memory_space<semaphore_mem>>)
      %dma_start3A_148 = arith.constant 1 : i32
      %dma_start3A_149 = arith.constant 0 : i32
      %dma_start3A_150 = tpu.memref_slice %arg3[%dma_start3A_148, %mul3A_118, %dma_start3A_149] : memref<8x50000x128xf32, #tpu.memory_space<hbm>> -> memref<1x400x128xf32, #tpu.memory_space<hbm>>
      %dma_start3A_151 = tpu.memref_squeeze %dma_start3A_150 : memref<1x400x128xf32, #tpu.memory_space<hbm>> -> memref<400x128xf32, #tpu.memory_space<hbm>>
      %dma_start3A_152 = arith.constant 0 : i32
      %dma_start3A_153 = tpu.memref_slice %arg3[%dma_start3A_148, %mul3A_118, %dma_start3A_152] : memref<8x50000x128xf32, #tpu.memory_space<hbm>> -> memref<1x400x128xf32, #tpu.memory_space<hbm>>
      %dma_start3A_154 = tpu.memref_squeeze %dma_start3A_153 : memref<1x400x128xf32, #tpu.memory_space<hbm>> -> memref<400x128xf32, #tpu.memory_space<hbm>>
      tpu.enqueue_dma source(%arg5 : memref<400x128xf32, #tpu.memory_space<vmem>>) target(%dma_start3A_154 : memref<400x128xf32, #tpu.memory_space<hbm>>) target_semaphore(%arg9 : memref<!tpu.dma_semaphore, #tpu.memory_space<semaphore_mem>>)
      %dma_start3A_155 = arith.constant 2 : i32
      %dma_start3A_156 = arith.constant 0 : i32
      %dma_start3A_157 = tpu.memref_slice %arg3[%dma_start3A_155, %mul3A_118, %dma_start3A_156] : memref<8x50000x128xf32, #tpu.memory_space<hbm>> -> memref<1x400x128xf32, #tpu.memory_space<hbm>>
      %dma_start3A_158 = tpu.memref_squeeze %dma_start3A_157 : memref<1x400x128xf32, #tpu.memory_space<hbm>> -> memref<400x128xf32, #tpu.memory_space<hbm>>
      %dma_start3A_159 = arith.constant 0 : i32
      %dma_start3A_160 = tpu.memref_slice %arg3[%dma_start3A_155, %mul3A_118, %dma_start3A_159] : memref<8x50000x128xf32, #tpu.memory_space<hbm>> -> memref<1x400x128xf32, #tpu.memory_space<hbm>>
      %dma_start3A_161 = tpu.memref_squeeze %dma_start3A_160 : memref<1x400x128xf32, #tpu.memory_space<hbm>> -> memref<400x128xf32, #tpu.memory_space<hbm>>
      tpu.enqueue_dma source(%arg5 : memref<400x128xf32, #tpu.memory_space<vmem>>) target(%dma_start3A_161 : memref<400x128xf32, #tpu.memory_space<hbm>>) target_semaphore(%arg9 : memref<!tpu.dma_semaphore, #tpu.memory_space<semaphore_mem>>)
      %dma_start3A_162 = arith.constant 3 : i32
      %dma_start3A_163 = arith.constant 0 : i32
      %dma_start3A_164 = tpu.memref_slice %arg3[%dma_start3A_162, %mul3A_118, %dma_start3A_163] : memref<8x50000x128xf32, #tpu.memory_space<hbm>> -> memref<1x400x128xf32, #tpu.memory_space<hbm>>
      %dma_start3A_165 = tpu.memref_squeeze %dma_start3A_164 : memref<1x400x128xf32, #tpu.memory_space<hbm>> -> memref<400x128xf32, #tpu.memory_space<hbm>>
      %dma_start3A_166 = arith.constant 0 : i32
      %dma_start3A_167 = tpu.memref_slice %arg3[%dma_start3A_162, %mul3A_118, %dma_start3A_166] : memref<8x50000x128xf32, #tpu.memory_space<hbm>> -> memref<1x400x128xf32, #tpu.memory_space<hbm>>
      %dma_start3A_168 = tpu.memref_squeeze %dma_start3A_167 : memref<1x400x128xf32, #tpu.memory_space<hbm>> -> memref<400x128xf32, #tpu.memory_space<hbm>>
      tpu.enqueue_dma source(%arg5 : memref<400x128xf32, #tpu.memory_space<vmem>>) target(%dma_start3A_168 : memref<400x128xf32, #tpu.memory_space<hbm>>) target_semaphore(%arg9 : memref<!tpu.dma_semaphore, #tpu.memory_space<semaphore_mem>>)
      %dma_start3A_169 = arith.constant 4 : i32
      %dma_start3A_170 = arith.constant 0 : i32
      %dma_start3A_171 = tpu.memref_slice %arg3[%dma_start3A_169, %mul3A_118, %dma_start3A_170] : memref<8x50000x128xf32, #tpu.memory_space<hbm>> -> memref<1x400x128xf32, #tpu.memory_space<hbm>>
      %dma_start3A_172 = tpu.memref_squeeze %dma_start3A_171 : memref<1x400x128xf32, #tpu.memory_space<hbm>> -> memref<400x128xf32, #tpu.memory_space<hbm>>
      %dma_start3A_173 = arith.constant 0 : i32
      %dma_start3A_174 = tpu.memref_slice %arg3[%dma_start3A_169, %mul3A_118, %dma_start3A_173] : memref<8x50000x128xf32, #tpu.memory_space<hbm>> -> memref<1x400x128xf32, #tpu.memory_space<hbm>>
      %dma_start3A_175 = tpu.memref_squeeze %dma_start3A_174 : memref<1x400x128xf32, #tpu.memory_space<hbm>> -> memref<400x128xf32, #tpu.memory_space<hbm>>
      tpu.enqueue_dma source(%arg5 : memref<400x128xf32, #tpu.memory_space<vmem>>) target(%dma_start3A_175 : memref<400x128xf32, #tpu.memory_space<hbm>>) target_semaphore(%arg9 : memref<!tpu.dma_semaphore, #tpu.memory_space<semaphore_mem>>)
      %dma_start3A_176 = arith.constant 5 : i32
      %dma_start3A_177 = arith.constant 0 : i32
      %dma_start3A_178 = tpu.memref_slice %arg3[%dma_start3A_176, %mul3A_118, %dma_start3A_177] : memref<8x50000x128xf32, #tpu.memory_space<hbm>> -> memref<1x400x128xf32, #tpu.memory_space<hbm>>
      %dma_start3A_179 = tpu.memref_squeeze %dma_start3A_178 : memref<1x400x128xf32, #tpu.memory_space<hbm>> -> memref<400x128xf32, #tpu.memory_space<hbm>>
      %dma_start3A_180 = arith.constant 0 : i32
      %dma_start3A_181 = tpu.memref_slice %arg3[%dma_start3A_176, %mul3A_118, %dma_start3A_180] : memref<8x50000x128xf32, #tpu.memory_space<hbm>> -> memref<1x400x128xf32, #tpu.memory_space<hbm>>
      %dma_start3A_182 = tpu.memref_squeeze %dma_start3A_181 : memref<1x400x128xf32, #tpu.memory_space<hbm>> -> memref<400x128xf32, #tpu.memory_space<hbm>>
      tpu.enqueue_dma source(%arg5 : memref<400x128xf32, #tpu.memory_space<vmem>>) target(%dma_start3A_182 : memref<400x128xf32, #tpu.memory_space<hbm>>) target_semaphore(%arg9 : memref<!tpu.dma_semaphore, #tpu.memory_space<semaphore_mem>>)
      %dma_start3A_183 = arith.constant 6 : i32
      %dma_start3A_184 = arith.constant 0 : i32
      %dma_start3A_185 = tpu.memref_slice %arg3[%dma_start3A_183, %mul3A_118, %dma_start3A_184] : memref<8x50000x128xf32, #tpu.memory_space<hbm>> -> memref<1x400x128xf32, #tpu.memory_space<hbm>>
      %dma_start3A_186 = tpu.memref_squeeze %dma_start3A_185 : memref<1x400x128xf32, #tpu.memory_space<hbm>> -> memref<400x128xf32, #tpu.memory_space<hbm>>
      %dma_start3A_187 = arith.constant 0 : i32
      %dma_start3A_188 = tpu.memref_slice %arg3[%dma_start3A_183, %mul3A_118, %dma_start3A_187] : memref<8x50000x128xf32, #tpu.memory_space<hbm>> -> memref<1x400x128xf32, #tpu.memory_space<hbm>>
      %dma_start3A_189 = tpu.memref_squeeze %dma_start3A_188 : memref<1x400x128xf32, #tpu.memory_space<hbm>> -> memref<400x128xf32, #tpu.memory_space<hbm>>
      tpu.enqueue_dma source(%arg5 : memref<400x128xf32, #tpu.memory_space<vmem>>) target(%dma_start3A_189 : memref<400x128xf32, #tpu.memory_space<hbm>>) target_semaphore(%arg9 : memref<!tpu.dma_semaphore, #tpu.memory_space<semaphore_mem>>)
      %dma_start3A_190 = arith.constant 7 : i32
      %dma_start3A_191 = arith.constant 0 : i32
      %dma_start3A_192 = tpu.memref_slice %arg3[%dma_start3A_190, %mul3A_118, %dma_start3A_191] : memref<8x50000x128xf32, #tpu.memory_space<hbm>> -> memref<1x400x128xf32, #tpu.memory_space<hbm>>
      %dma_start3A_193 = tpu.memref_squeeze %dma_start3A_192 : memref<1x400x128xf32, #tpu.memory_space<hbm>> -> memref<400x128xf32, #tpu.memory_space<hbm>>
      %dma_start3A_194 = arith.constant 0 : i32
      %dma_start3A_195 = tpu.memref_slice %arg3[%dma_start3A_190, %mul3A_118, %dma_start3A_194] : memref<8x50000x128xf32, #tpu.memory_space<hbm>> -> memref<1x400x128xf32, #tpu.memory_space<hbm>>
      %dma_start3A_196 = tpu.memref_squeeze %dma_start3A_195 : memref<1x400x128xf32, #tpu.memory_space<hbm>> -> memref<400x128xf32, #tpu.memory_space<hbm>>
      tpu.enqueue_dma source(%arg5 : memref<400x128xf32, #tpu.memory_space<vmem>>) target(%dma_start3A_196 : memref<400x128xf32, #tpu.memory_space<hbm>>) target_semaphore(%arg9 : memref<!tpu.dma_semaphore, #tpu.memory_space<semaphore_mem>>)
    } else {
    }
    %add3A_124 = arith.constant 64 : i32
    %add3A_125 = arith.addi %add3A, %add3A_124 : i32
    %mul3A_126 = arith.constant 400 : i32
    %mul3A_127 = arith.muli %add3A_125, %mul3A_126 : i32
    %lt3A_128 = arith.constant 125 : i32
    %lt3A_129 = arith.cmpi slt, %add3A_125, %lt3A_128 : i32
    %convert_element_type3A_130 = arith.extui %lt3A_129 : i1 to i32
    %cond3A_131 = arith.constant 0 : i32
    %cond3A_132 = arith.cmpi ne, %convert_element_type3A_130, %cond3A_131 : i32
    scf.if %cond3A_132 {
      %dma_wait3A = arith.constant 0 : i32
      %dma_wait3A_142 = arith.constant 0 : i32
      %dma_wait3A_143 = tpu.memref_slice %arg3[%dma_wait3A, %mul3A_127, %dma_wait3A_142] : memref<8x50000x128xf32, #tpu.memory_space<hbm>> -> memref<1x400x128xf32, #tpu.memory_space<hbm>>
      %dma_wait3A_144 = tpu.memref_squeeze %dma_wait3A_143 : memref<1x400x128xf32, #tpu.memory_space<hbm>> -> memref<400x128xf32, #tpu.memory_space<hbm>>
      %dma_wait3A_145 = arith.constant 0 : i32
      %dma_wait3A_146 = tpu.memref_slice %arg3[%dma_wait3A, %mul3A_127, %dma_wait3A_145] : memref<8x50000x128xf32, #tpu.memory_space<hbm>> -> memref<1x400x128xf32, #tpu.memory_space<hbm>>
      %dma_wait3A_147 = tpu.memref_squeeze %dma_wait3A_146 : memref<1x400x128xf32, #tpu.memory_space<hbm>> -> memref<400x128xf32, #tpu.memory_space<hbm>>
      tpu.wait_dma2 semaphore(%arg8 : memref<!tpu.dma_semaphore, #tpu.memory_space<semaphore_mem>>) src(%arg4 : memref<400x128xf32, #tpu.memory_space<vmem>>) dst(%dma_wait3A_147 : memref<400x128xf32, #tpu.memory_space<hbm>>)
      %dma_wait3A_148 = arith.constant 1 : i32
      %dma_wait3A_149 = arith.constant 0 : i32
      %dma_wait3A_150 = tpu.memref_slice %arg3[%dma_wait3A_148, %mul3A_127, %dma_wait3A_149] : memref<8x50000x128xf32, #tpu.memory_space<hbm>> -> memref<1x400x128xf32, #tpu.memory_space<hbm>>
      %dma_wait3A_151 = tpu.memref_squeeze %dma_wait3A_150 : memref<1x400x128xf32, #tpu.memory_space<hbm>> -> memref<400x128xf32, #tpu.memory_space<hbm>>
      %dma_wait3A_152 = arith.constant 0 : i32
      %dma_wait3A_153 = tpu.memref_slice %arg3[%dma_wait3A_148, %mul3A_127, %dma_wait3A_152] : memref<8x50000x128xf32, #tpu.memory_space<hbm>> -> memref<1x400x128xf32, #tpu.memory_space<hbm>>
      %dma_wait3A_154 = tpu.memref_squeeze %dma_wait3A_153 : memref<1x400x128xf32, #tpu.memory_space<hbm>> -> memref<400x128xf32, #tpu.memory_space<hbm>>
      tpu.wait_dma2 semaphore(%arg8 : memref<!tpu.dma_semaphore, #tpu.memory_space<semaphore_mem>>) src(%arg4 : memref<400x128xf32, #tpu.memory_space<vmem>>) dst(%dma_wait3A_154 : memref<400x128xf32, #tpu.memory_space<hbm>>)
      %dma_wait3A_155 = arith.constant 2 : i32
      %dma_wait3A_156 = arith.constant 0 : i32
      %dma_wait3A_157 = tpu.memref_slice %arg3[%dma_wait3A_155, %mul3A_127, %dma_wait3A_156] : memref<8x50000x128xf32, #tpu.memory_space<hbm>> -> memref<1x400x128xf32, #tpu.memory_space<hbm>>
      %dma_wait3A_158 = tpu.memref_squeeze %dma_wait3A_157 : memref<1x400x128xf32, #tpu.memory_space<hbm>> -> memref<400x128xf32, #tpu.memory_space<hbm>>
      %dma_wait3A_159 = arith.constant 0 : i32
      %dma_wait3A_160 = tpu.memref_slice %arg3[%dma_wait3A_155, %mul3A_127, %dma_wait3A_159] : memref<8x50000x128xf32, #tpu.memory_space<hbm>> -> memref<1x400x128xf32, #tpu.memory_space<hbm>>
      %dma_wait3A_161 = tpu.memref_squeeze %dma_wait3A_160 : memref<1x400x128xf32, #tpu.memory_space<hbm>> -> memref<400x128xf32, #tpu.memory_space<hbm>>
      tpu.wait_dma2 semaphore(%arg8 : memref<!tpu.dma_semaphore, #tpu.memory_space<semaphore_mem>>) src(%arg4 : memref<400x128xf32, #tpu.memory_space<vmem>>) dst(%dma_wait3A_161 : memref<400x128xf32, #tpu.memory_space<hbm>>)
      %dma_wait3A_162 = arith.constant 3 : i32
      %dma_wait3A_163 = arith.constant 0 : i32
      %dma_wait3A_164 = tpu.memref_slice %arg3[%dma_wait3A_162, %mul3A_127, %dma_wait3A_163] : memref<8x50000x128xf32, #tpu.memory_space<hbm>> -> memref<1x400x128xf32, #tpu.memory_space<hbm>>
      %dma_wait3A_165 = tpu.memref_squeeze %dma_wait3A_164 : memref<1x400x128xf32, #tpu.memory_space<hbm>> -> memref<400x128xf32, #tpu.memory_space<hbm>>
      %dma_wait3A_166 = arith.constant 0 : i32
      %dma_wait3A_167 = tpu.memref_slice %arg3[%dma_wait3A_162, %mul3A_127, %dma_wait3A_166] : memref<8x50000x128xf32, #tpu.memory_space<hbm>> -> memref<1x400x128xf32, #tpu.memory_space<hbm>>
      %dma_wait3A_168 = tpu.memref_squeeze %dma_wait3A_167 : memref<1x400x128xf32, #tpu.memory_space<hbm>> -> memref<400x128xf32, #tpu.memory_space<hbm>>
      tpu.wait_dma2 semaphore(%arg8 : memref<!tpu.dma_semaphore, #tpu.memory_space<semaphore_mem>>) src(%arg4 : memref<400x128xf32, #tpu.memory_space<vmem>>) dst(%dma_wait3A_168 : memref<400x128xf32, #tpu.memory_space<hbm>>)
      %dma_wait3A_169 = arith.constant 4 : i32
      %dma_wait3A_170 = arith.constant 0 : i32
      %dma_wait3A_171 = tpu.memref_slice %arg3[%dma_wait3A_169, %mul3A_127, %dma_wait3A_170] : memref<8x50000x128xf32, #tpu.memory_space<hbm>> -> memref<1x400x128xf32, #tpu.memory_space<hbm>>
      %dma_wait3A_172 = tpu.memref_squeeze %dma_wait3A_171 : memref<1x400x128xf32, #tpu.memory_space<hbm>> -> memref<400x128xf32, #tpu.memory_space<hbm>>
      %dma_wait3A_173 = arith.constant 0 : i32
      %dma_wait3A_174 = tpu.memref_slice %arg3[%dma_wait3A_169, %mul3A_127, %dma_wait3A_173] : memref<8x50000x128xf32, #tpu.memory_space<hbm>> -> memref<1x400x128xf32, #tpu.memory_space<hbm>>
      %dma_wait3A_175 = tpu.memref_squeeze %dma_wait3A_174 : memref<1x400x128xf32, #tpu.memory_space<hbm>> -> memref<400x128xf32, #tpu.memory_space<hbm>>
      tpu.wait_dma2 semaphore(%arg8 : memref<!tpu.dma_semaphore, #tpu.memory_space<semaphore_mem>>) src(%arg4 : memref<400x128xf32, #tpu.memory_space<vmem>>) dst(%dma_wait3A_175 : memref<400x128xf32, #tpu.memory_space<hbm>>)
      %dma_wait3A_176 = arith.constant 5 : i32
      %dma_wait3A_177 = arith.constant 0 : i32
      %dma_wait3A_178 = tpu.memref_slice %arg3[%dma_wait3A_176, %mul3A_127, %dma_wait3A_177] : memref<8x50000x128xf32, #tpu.memory_space<hbm>> -> memref<1x400x128xf32, #tpu.memory_space<hbm>>
      %dma_wait3A_179 = tpu.memref_squeeze %dma_wait3A_178 : memref<1x400x128xf32, #tpu.memory_space<hbm>> -> memref<400x128xf32, #tpu.memory_space<hbm>>
      %dma_wait3A_180 = arith.constant 0 : i32
      %dma_wait3A_181 = tpu.memref_slice %arg3[%dma_wait3A_176, %mul3A_127, %dma_wait3A_180] : memref<8x50000x128xf32, #tpu.memory_space<hbm>> -> memref<1x400x128xf32, #tpu.memory_space<hbm>>
      %dma_wait3A_182 = tpu.memref_squeeze %dma_wait3A_181 : memref<1x400x128xf32, #tpu.memory_space<hbm>> -> memref<400x128xf32, #tpu.memory_space<hbm>>
      tpu.wait_dma2 semaphore(%arg8 : memref<!tpu.dma_semaphore, #tpu.memory_space<semaphore_mem>>) src(%arg4 : memref<400x128xf32, #tpu.memory_space<vmem>>) dst(%dma_wait3A_182 : memref<400x128xf32, #tpu.memory_space<hbm>>)
      %dma_wait3A_183 = arith.constant 6 : i32
      %dma_wait3A_184 = arith.constant 0 : i32
      %dma_wait3A_185 = tpu.memref_slice %arg3[%dma_wait3A_183, %mul3A_127, %dma_wait3A_184] : memref<8x50000x128xf32, #tpu.memory_space<hbm>> -> memref<1x400x128xf32, #tpu.memory_space<hbm>>
      %dma_wait3A_186 = tpu.memref_squeeze %dma_wait3A_185 : memref<1x400x128xf32, #tpu.memory_space<hbm>> -> memref<400x128xf32, #tpu.memory_space<hbm>>
      %dma_wait3A_187 = arith.constant 0 : i32
      %dma_wait3A_188 = tpu.memref_slice %arg3[%dma_wait3A_183, %mul3A_127, %dma_wait3A_187] : memref<8x50000x128xf32, #tpu.memory_space<hbm>> -> memref<1x400x128xf32, #tpu.memory_space<hbm>>
      %dma_wait3A_189 = tpu.memref_squeeze %dma_wait3A_188 : memref<1x400x128xf32, #tpu.memory_space<hbm>> -> memref<400x128xf32, #tpu.memory_space<hbm>>
      tpu.wait_dma2 semaphore(%arg8 : memref<!tpu.dma_semaphore, #tpu.memory_space<semaphore_mem>>) src(%arg4 : memref<400x128xf32, #tpu.memory_space<vmem>>) dst(%dma_wait3A_189 : memref<400x128xf32, #tpu.memory_space<hbm>>)
      %dma_wait3A_190 = arith.constant 7 : i32
      %dma_wait3A_191 = arith.constant 0 : i32
      %dma_wait3A_192 = tpu.memref_slice %arg3[%dma_wait3A_190, %mul3A_127, %dma_wait3A_191] : memref<8x50000x128xf32, #tpu.memory_space<hbm>> -> memref<1x400x128xf32, #tpu.memory_space<hbm>>
      %dma_wait3A_193 = tpu.memref_squeeze %dma_wait3A_192 : memref<1x400x128xf32, #tpu.memory_space<hbm>> -> memref<400x128xf32, #tpu.memory_space<hbm>>
      %dma_wait3A_194 = arith.constant 0 : i32
      %dma_wait3A_195 = tpu.memref_slice %arg3[%dma_wait3A_190, %mul3A_127, %dma_wait3A_194] : memref<8x50000x128xf32, #tpu.memory_space<hbm>> -> memref<1x400x128xf32, #tpu.memory_space<hbm>>
      %dma_wait3A_196 = tpu.memref_squeeze %dma_wait3A_195 : memref<1x400x128xf32, #tpu.memory_space<hbm>> -> memref<400x128xf32, #tpu.memory_space<hbm>>
      tpu.wait_dma2 semaphore(%arg8 : memref<!tpu.dma_semaphore, #tpu.memory_space<semaphore_mem>>) src(%arg4 : memref<400x128xf32, #tpu.memory_space<vmem>>) dst(%dma_wait3A_196 : memref<400x128xf32, #tpu.memory_space<hbm>>)
    } else {
    }
    %add3A_133 = arith.constant 96 : i32
    %add3A_134 = arith.addi %add3A, %add3A_133 : i32
    %mul3A_135 = arith.constant 400 : i32
    %mul3A_136 = arith.muli %add3A_134, %mul3A_135 : i32
    %lt3A_137 = arith.constant 125 : i32
    %lt3A_138 = arith.cmpi slt, %add3A_134, %lt3A_137 : i32
    %convert_element_type3A_139 = arith.extui %lt3A_138 : i1 to i32
    %cond3A_140 = arith.constant 0 : i32
    %cond3A_141 = arith.cmpi ne, %convert_element_type3A_139, %cond3A_140 : i32
    scf.if %cond3A_141 {
      %dma_wait3A = arith.constant 0 : i32
      %dma_wait3A_142 = arith.constant 0 : i32
      %dma_wait3A_143 = tpu.memref_slice %arg3[%dma_wait3A, %mul3A_136, %dma_wait3A_142] : memref<8x50000x128xf32, #tpu.memory_space<hbm>> -> memref<1x400x128xf32, #tpu.memory_space<hbm>>
      %dma_wait3A_144 = tpu.memref_squeeze %dma_wait3A_143 : memref<1x400x128xf32, #tpu.memory_space<hbm>> -> memref<400x128xf32, #tpu.memory_space<hbm>>
      %dma_wait3A_145 = arith.constant 0 : i32
      %dma_wait3A_146 = tpu.memref_slice %arg3[%dma_wait3A, %mul3A_136, %dma_wait3A_145] : memref<8x50000x128xf32, #tpu.memory_space<hbm>> -> memref<1x400x128xf32, #tpu.memory_space<hbm>>
      %dma_wait3A_147 = tpu.memref_squeeze %dma_wait3A_146 : memref<1x400x128xf32, #tpu.memory_space<hbm>> -> memref<400x128xf32, #tpu.memory_space<hbm>>
      tpu.wait_dma2 semaphore(%arg9 : memref<!tpu.dma_semaphore, #tpu.memory_space<semaphore_mem>>) src(%arg5 : memref<400x128xf32, #tpu.memory_space<vmem>>) dst(%dma_wait3A_147 : memref<400x128xf32, #tpu.memory_space<hbm>>)
      %dma_wait3A_148 = arith.constant 1 : i32
      %dma_wait3A_149 = arith.constant 0 : i32
      %dma_wait3A_150 = tpu.memref_slice %arg3[%dma_wait3A_148, %mul3A_136, %dma_wait3A_149] : memref<8x50000x128xf32, #tpu.memory_space<hbm>> -> memref<1x400x128xf32, #tpu.memory_space<hbm>>
      %dma_wait3A_151 = tpu.memref_squeeze %dma_wait3A_150 : memref<1x400x128xf32, #tpu.memory_space<hbm>> -> memref<400x128xf32, #tpu.memory_space<hbm>>
      %dma_wait3A_152 = arith.constant 0 : i32
      %dma_wait3A_153 = tpu.memref_slice %arg3[%dma_wait3A_148, %mul3A_136, %dma_wait3A_152] : memref<8x50000x128xf32, #tpu.memory_space<hbm>> -> memref<1x400x128xf32, #tpu.memory_space<hbm>>
      %dma_wait3A_154 = tpu.memref_squeeze %dma_wait3A_153 : memref<1x400x128xf32, #tpu.memory_space<hbm>> -> memref<400x128xf32, #tpu.memory_space<hbm>>
      tpu.wait_dma2 semaphore(%arg9 : memref<!tpu.dma_semaphore, #tpu.memory_space<semaphore_mem>>) src(%arg5 : memref<400x128xf32, #tpu.memory_space<vmem>>) dst(%dma_wait3A_154 : memref<400x128xf32, #tpu.memory_space<hbm>>)
      %dma_wait3A_155 = arith.constant 2 : i32
      %dma_wait3A_156 = arith.constant 0 : i32
      %dma_wait3A_157 = tpu.memref_slice %arg3[%dma_wait3A_155, %mul3A_136, %dma_wait3A_156] : memref<8x50000x128xf32, #tpu.memory_space<hbm>> -> memref<1x400x128xf32, #tpu.memory_space<hbm>>
      %dma_wait3A_158 = tpu.memref_squeeze %dma_wait3A_157 : memref<1x400x128xf32, #tpu.memory_space<hbm>> -> memref<400x128xf32, #tpu.memory_space<hbm>>
      %dma_wait3A_159 = arith.constant 0 : i32
      %dma_wait3A_160 = tpu.memref_slice %arg3[%dma_wait3A_155, %mul3A_136, %dma_wait3A_159] : memref<8x50000x128xf32, #tpu.memory_space<hbm>> -> memref<1x400x128xf32, #tpu.memory_space<hbm>>
      %dma_wait3A_161 = tpu.memref_squeeze %dma_wait3A_160 : memref<1x400x128xf32, #tpu.memory_space<hbm>> -> memref<400x128xf32, #tpu.memory_space<hbm>>
      tpu.wait_dma2 semaphore(%arg9 : memref<!tpu.dma_semaphore, #tpu.memory_space<semaphore_mem>>) src(%arg5 : memref<400x128xf32, #tpu.memory_space<vmem>>) dst(%dma_wait3A_161 : memref<400x128xf32, #tpu.memory_space<hbm>>)
      %dma_wait3A_162 = arith.constant 3 : i32
      %dma_wait3A_163 = arith.constant 0 : i32
      %dma_wait3A_164 = tpu.memref_slice %arg3[%dma_wait3A_162, %mul3A_136, %dma_wait3A_163] : memref<8x50000x128xf32, #tpu.memory_space<hbm>> -> memref<1x400x128xf32, #tpu.memory_space<hbm>>
      %dma_wait3A_165 = tpu.memref_squeeze %dma_wait3A_164 : memref<1x400x128xf32, #tpu.memory_space<hbm>> -> memref<400x128xf32, #tpu.memory_space<hbm>>
      %dma_wait3A_166 = arith.constant 0 : i32
      %dma_wait3A_167 = tpu.memref_slice %arg3[%dma_wait3A_162, %mul3A_136, %dma_wait3A_166] : memref<8x50000x128xf32, #tpu.memory_space<hbm>> -> memref<1x400x128xf32, #tpu.memory_space<hbm>>
      %dma_wait3A_168 = tpu.memref_squeeze %dma_wait3A_167 : memref<1x400x128xf32, #tpu.memory_space<hbm>> -> memref<400x128xf32, #tpu.memory_space<hbm>>
      tpu.wait_dma2 semaphore(%arg9 : memref<!tpu.dma_semaphore, #tpu.memory_space<semaphore_mem>>) src(%arg5 : memref<400x128xf32, #tpu.memory_space<vmem>>) dst(%dma_wait3A_168 : memref<400x128xf32, #tpu.memory_space<hbm>>)
      %dma_wait3A_169 = arith.constant 4 : i32
      %dma_wait3A_170 = arith.constant 0 : i32
      %dma_wait3A_171 = tpu.memref_slice %arg3[%dma_wait3A_169, %mul3A_136, %dma_wait3A_170] : memref<8x50000x128xf32, #tpu.memory_space<hbm>> -> memref<1x400x128xf32, #tpu.memory_space<hbm>>
      %dma_wait3A_172 = tpu.memref_squeeze %dma_wait3A_171 : memref<1x400x128xf32, #tpu.memory_space<hbm>> -> memref<400x128xf32, #tpu.memory_space<hbm>>
      %dma_wait3A_173 = arith.constant 0 : i32
      %dma_wait3A_174 = tpu.memref_slice %arg3[%dma_wait3A_169, %mul3A_136, %dma_wait3A_173] : memref<8x50000x128xf32, #tpu.memory_space<hbm>> -> memref<1x400x128xf32, #tpu.memory_space<hbm>>
      %dma_wait3A_175 = tpu.memref_squeeze %dma_wait3A_174 : memref<1x400x128xf32, #tpu.memory_space<hbm>> -> memref<400x128xf32, #tpu.memory_space<hbm>>
      tpu.wait_dma2 semaphore(%arg9 : memref<!tpu.dma_semaphore, #tpu.memory_space<semaphore_mem>>) src(%arg5 : memref<400x128xf32, #tpu.memory_space<vmem>>) dst(%dma_wait3A_175 : memref<400x128xf32, #tpu.memory_space<hbm>>)
      %dma_wait3A_176 = arith.constant 5 : i32
      %dma_wait3A_177 = arith.constant 0 : i32
      %dma_wait3A_178 = tpu.memref_slice %arg3[%dma_wait3A_176, %mul3A_136, %dma_wait3A_177] : memref<8x50000x128xf32, #tpu.memory_space<hbm>> -> memref<1x400x128xf32, #tpu.memory_space<hbm>>
      %dma_wait3A_179 = tpu.memref_squeeze %dma_wait3A_178 : memref<1x400x128xf32, #tpu.memory_space<hbm>> -> memref<400x128xf32, #tpu.memory_space<hbm>>
      %dma_wait3A_180 = arith.constant 0 : i32
      %dma_wait3A_181 = tpu.memref_slice %arg3[%dma_wait3A_176, %mul3A_136, %dma_wait3A_180] : memref<8x50000x128xf32, #tpu.memory_space<hbm>> -> memref<1x400x128xf32, #tpu.memory_space<hbm>>
      %dma_wait3A_182 = tpu.memref_squeeze %dma_wait3A_181 : memref<1x400x128xf32, #tpu.memory_space<hbm>> -> memref<400x128xf32, #tpu.memory_space<hbm>>
      tpu.wait_dma2 semaphore(%arg9 : memref<!tpu.dma_semaphore, #tpu.memory_space<semaphore_mem>>) src(%arg5 : memref<400x128xf32, #tpu.memory_space<vmem>>) dst(%dma_wait3A_182 : memref<400x128xf32, #tpu.memory_space<hbm>>)
      %dma_wait3A_183 = arith.constant 6 : i32
      %dma_wait3A_184 = arith.constant 0 : i32
      %dma_wait3A_185 = tpu.memref_slice %arg3[%dma_wait3A_183, %mul3A_136, %dma_wait3A_184] : memref<8x50000x128xf32, #tpu.memory_space<hbm>> -> memref<1x400x128xf32, #tpu.memory_space<hbm>>
      %dma_wait3A_186 = tpu.memref_squeeze %dma_wait3A_185 : memref<1x400x128xf32, #tpu.memory_space<hbm>> -> memref<400x128xf32, #tpu.memory_space<hbm>>
      %dma_wait3A_187 = arith.constant 0 : i32
      %dma_wait3A_188 = tpu.memref_slice %arg3[%dma_wait3A_183, %mul3A_136, %dma_wait3A_187] : memref<8x50000x128xf32, #tpu.memory_space<hbm>> -> memref<1x400x128xf32, #tpu.memory_space<hbm>>
      %dma_wait3A_189 = tpu.memref_squeeze %dma_wait3A_188 : memref<1x400x128xf32, #tpu.memory_space<hbm>> -> memref<400x128xf32, #tpu.memory_space<hbm>>
      tpu.wait_dma2 semaphore(%arg9 : memref<!tpu.dma_semaphore, #tpu.memory_space<semaphore_mem>>) src(%arg5 : memref<400x128xf32, #tpu.memory_space<vmem>>) dst(%dma_wait3A_189 : memref<400x128xf32, #tpu.memory_space<hbm>>)
      %dma_wait3A_190 = arith.constant 7 : i32
      %dma_wait3A_191 = arith.constant 0 : i32
      %dma_wait3A_192 = tpu.memref_slice %arg3[%dma_wait3A_190, %mul3A_136, %dma_wait3A_191] : memref<8x50000x128xf32, #tpu.memory_space<hbm>> -> memref<1x400x128xf32, #tpu.memory_space<hbm>>
      %dma_wait3A_193 = tpu.memref_squeeze %dma_wait3A_192 : memref<1x400x128xf32, #tpu.memory_space<hbm>> -> memref<400x128xf32, #tpu.memory_space<hbm>>
      %dma_wait3A_194 = arith.constant 0 : i32
      %dma_wait3A_195 = tpu.memref_slice %arg3[%dma_wait3A_190, %mul3A_136, %dma_wait3A_194] : memref<8x50000x128xf32, #tpu.memory_space<hbm>> -> memref<1x400x128xf32, #tpu.memory_space<hbm>>
      %dma_wait3A_196 = tpu.memref_squeeze %dma_wait3A_195 : memref<1x400x128xf32, #tpu.memory_space<hbm>> -> memref<400x128xf32, #tpu.memory_space<hbm>>
      tpu.wait_dma2 semaphore(%arg9 : memref<!tpu.dma_semaphore, #tpu.memory_space<semaphore_mem>>) src(%arg5 : memref<400x128xf32, #tpu.memory_space<vmem>>) dst(%dma_wait3A_196 : memref<400x128xf32, #tpu.memory_space<hbm>>)
    } else {
    }
    return
  }
}

</mosaic_0001>

<sc_bundles>
// kernel: kernel.3.cloned.1.call-start
scs
__scs_entry_jumppad:
0x0: {  	(pc) =	sbr.rel $0x88, $3  }
0x1: {  	(tag) =	ssettag $0x0;
	lr =	simm.s32 $0x1  }
0x2: {  	[smem:$0x3FA0] =	sst lr;
	_ =	strace $0xD0000000  }
0x3: {  	_ = 	snop  }
0x4: {  	_ = 	snop  }
0x5: {  	_ = 	snop  }
0x6: {  	_ = 	snop  }
0x7: {  	_ = 	snop  }
__scs_overlays_trampoline_lowered:
0x8: {  	[smem:$0x3FAF] =	sst s0  }
0x9: {  	[smem:$0x3FB0] =	sst s1  }
0xa: {  	[smem:$0x3FB1] =	sst s2  }
0xb: {  	[smem:$0x3FB2] =	sst s3  }
0xc: {  	[smem:$0x3FB3] =	sst s4  }
0xd: {  	[smem:$0x3FB4] =	sst s5  }
0xe: {  	[smem:$0x3FB5] =	sst s6  }
0xf: {  	[smem:$0x3FB6] =	sst s7  }
0x10: {  	[smem:$0x3FB7] =	sst s8  }
0x11: {  	[smem:$0x3FB8] =	sst s9;
	s0 =	simm.s32 @!p0 $0x0  }
0x12: {  	s1 =	sld [smem:$0x3F9E];
	s0 =	simm.s32 @p0 $0x1  }
0x13: {  	[smem:$0x3FB9] =	sst s0;
	s0 =	simm.s32 @!p1 $0x0  }
0x14: {  	s2 =	sld [smem:$0x3F9D];
	s0 =	simm.s32 @p1 $0x1  }
0x15: {  	[smem:$0x3FBA] =	sst s0;
	s0 =	simm.s32 @!p2 $0x0  }
0x16: {  	s3 =	sld [smem:$0x3FDB];
	s0 =	simm.s32 @p2 $0x1  }
0x17: {  	s4 =	simm.s32 $0x1BF5;
	[smem:$0x3FBC] =	sst s0  }
0x18: {  	s0 =	sld [smem:$0x3F9F];
	_ =	swait.ge [sflag:s4], $0x0  }
0x19: {  	s7 =	sld [smem:$0x3FA0]  }
0x1a: {  	s8 =	sadd.s32 $0xFFFFE003, lr  }
0x1b: {  	s9 =	sadd.s32 $0xFFFFFEF7, lr;
	s5 =	simm.s32 $0xFFFFFFFF;
	p2 =	slt.u32 s8, $0xFFFFF086  }
0x1c: {  	p1 =	slt.u32 s9, $0xF7A;
	s5 =	simm.s32 @!p2 $0x0  }
0x1d: {  	s5 =	simm.s32 @p1 $0x1;
	p0 =	seq.s32 s7, s2  }
0x1e: {  	s7 =	smul.u32 @!p0 $0xF7A, s2;
	p2 =	seq.s32 @!p0 s5, $0x0  }
0x1f: {  	s9 =	smul.u32 $0xF7A, s1;
	s8 =	simm.s32 @!p0 $0x1BF5;
	p2 =	por !p2, p0  }
0x20: {  	[sflag:s8] =	ssyncset.s32 @!p0 $0xFFFFF086;
	s6 =	sadd.s32 @!p0 s3, s7;
	s7 =	simm.s32 @!p0 $0x108  }
0x21: {  	s3 =	sadd.s32 s3, s9;
	s6 =	sadd.s32 @!p0 $0x88, s6;
	s7 =	simm.s32 @p2 $0x1082  }
0x22: {  	[simem:s7], [sflag:s8] =	dma.local @!p0 [hbm:s6], $0xF7A  }
0x23: {  	s9 =	sor.u32 $0xD0000000, s2;
	s6 =	simm.s32 $0x108;
	_ =	swait.ge @!p0 [sflag:s8], $0x0  }
0x24: {  	s3 =	sadd.s32 $0x88, s3;
	s6 =	simm.s32 @!p1 $0x1082;
	[sflag:s4] =	ssyncset.s32 $0xFFFFF086  }
0x25: {  	[simem:s6], [sflag:s4] =	dma.local [hbm:s3], $0xF7A  }
0x26: {  	[smem:$0x3FA0] =	sst s1;
	(tag) =	ssettag s2;
	_ =	strace s9  }
0x27: {  	s1 =	sld [smem:$0x3FB0]  }
0x28: {  	s2 =	sld [smem:$0x3FB1]  }
0x29: {  	s4 =	sld [smem:$0x3FB3]  }
0x2a: {  	p0 =	seq.s32 s5, $0x0;
	s5 =	sld [smem:$0x3FB4]  }
0x2b: {  	s6 =	sld [smem:$0x3FB5]  }
0x2c: {  	s7 =	sld [smem:$0x3FB6]  }
0x2d: {  	s3 =	simm.s32 $0x108;
	s8 =	sld [smem:$0x3FB7]  }
0x2e: {  	s3 =	simm.s32 @!p0 $0x1082;
	s9 =	sld [smem:$0x3FB8]  }
0x2f: {  	lr =	sadd.s32 s0, s3;
	s0 =	sld [smem:$0x3FAF]  }
0x30: {  	s3 =	sld [smem:$0x3FB2]  }
0x31: {  	[smem:$0x3FBB] =	sst s10  }
0x32: {  	s10 =	sld [smem:$0x3FB9];
	_ =	sdelay $0x3  }
0x33: {  	p0 =	seq.s32 s10, $0x1;
	s10 =	sld [smem:$0x3FBB];
	_ =	sdelay $0x3  }
0x34: {  	[smem:$0x3FBB] =	sst s10  }
0x35: {  	s10 =	sld [smem:$0x3FBA];
	_ =	sdelay $0x3  }
0x36: {  	p1 =	seq.s32 s10, $0x1;
	s10 =	sld [smem:$0x3FBB];
	_ =	sdelay $0x3  }
0x37: {  	[smem:$0x3FBB] =	sst s10  }
0x38: {  	s10 =	sld [smem:$0x3FBC]  }
0x39: {  	_ = 	snop;
	(pc) =	sbr.ind lr, $3  }
0x3a: {  	_ = 	snop  }
0x3b: {  	_ = 	snop  }
0x3c: {  	p2 =	seq.s32 s10, $0x1;
	s10 =	sld [smem:$0x3FBB]  }
0x3d: {  	_ =	shalt  }
0x3e: {  	_ =	shalt  }
0x3f: {  	_ =	shalt  }
0x40: {  	_ =	shalt  }
0x41: {  	_ =	shalt  }
0x42: {  	_ =	shalt  }
0x43: {  	_ =	shalt  }
0x44: {  	_ =	shalt  }
0x45: {  	_ =	shalt  }
0x46: {  	_ =	shalt  }
0x47: {  	_ =	shalt  }
0x48: {  	_ =	shalt  }
0x49: {  	_ =	shalt  }
0x4a: {  	_ =	shalt  }
0x4b: {  	_ =	shalt  }
0x4c: {  	_ =	shalt  }
0x4d: {  	_ =	shalt  }
0x4e: {  	_ =	shalt  }
0x4f: {  	_ =	shalt  }
0x50: {  	_ =	shalt  }
0x51: {  	_ =	shalt  }
0x52: {  	_ =	shalt  }
0x53: {  	_ =	shalt  }
0x54: {  	_ =	shalt  }
0x55: {  	_ =	shalt  }
0x56: {  	_ =	shalt  }
0x57: {  	_ =	shalt  }
0x58: {  	_ =	shalt  }
0x59: {  	_ =	shalt  }
0x5a: {  	_ =	shalt  }
0x5b: {  	_ =	shalt  }
0x5c: {  	_ =	shalt  }
0x5d: {  	_ =	shalt  }
0x5e: {  	_ =	shalt  }
0x5f: {  	_ =	shalt  }
0x60: {  	_ =	shalt  }
0x61: {  	_ =	shalt  }
0x62: {  	_ =	shalt  }
0x63: {  	_ =	shalt  }
0x64: {  	_ =	shalt  }
0x65: {  	_ =	shalt  }
0x66: {  	_ =	shalt  }
0x67: {  	_ =	shalt  }
0x68: {  	_ =	shalt  }
0x69: {  	_ =	shalt  }
0x6a: {  	_ =	shalt  }
0x6b: {  	_ =	shalt  }
0x6c: {  	_ =	shalt  }
0x6d: {  	_ =	shalt  }
0x6e: {  	_ =	shalt  }
0x6f: {  	_ =	shalt  }
0x70: {  	_ =	shalt  }
0x71: {  	_ =	shalt  }
0x72: {  	_ =	shalt  }
0x73: {  	_ =	shalt  }
0x74: {  	_ =	shalt  }
0x75: {  	_ =	shalt  }
0x76: {  	_ =	shalt  }
0x77: {  	_ =	shalt  }
0x78: {  	_ =	shalt  }
0x79: {  	_ =	shalt  }
0x7a: {  	_ =	shalt  }
0x7b: {  	_ =	shalt  }
0x7c: {  	_ =	shalt  }
0x7d: {  	_ =	shalt  }
0x7e: {  	_ =	shalt  }
0x7f: {  	_ =	shalt  }
0x80: {  	_ =	shalt  }
0x81: {  	_ =	shalt  }
0x82: {  	_ =	shalt  }
0x83: {  	_ =	shalt  }
0x84: {  	_ =	shalt  }
0x85: {  	_ =	shalt  }
0x86: {  	_ =	shalt  }
0x87: {  	_ =	shalt  }
.Lfunc_end0:
.L_simem_size_0:
called_computation_lowered:
.L_overlay_start_0:
0x88: {  	s2 =	sld [smem:$0x3FD9]  }
0x89: {  	s3 =	sld [smem:$0x3FFE];
	_ =	sdelay $0x1  }
0x8a: {  	s1 =	srdreg.scid  }
0x8b: {  	s0 =	sand.u32 $0x1, s1  }
0x8c: {  	s18 =	sshll.u32 s0, $0xA;
	s2 =	sadd.s32 s3, s2  }
0x8d: {  	s2 =	sadd.s32 s2, s18  }
0x8e: {  	[smem:$0x3FC7] =	sst s2  }
0x8f: {  	_ = 	snop  }
0x90: {  	s2 =	sld [smem:$0x3FC9]  }
0x91: {  	s19 =	sld [smem:$0x3FD0];
	(tm) =	ssettm $0x1  }
0x92: {  	s4 =	sld [smem:$0x3FFB];
	_ =	sdelay $0x3  }
0x93: {  	_ =	strace s4  }
0x94: {  	s4 =	sld [smem:$0x3FFC];
	_ =	sdelay $0x3  }
0x95: {  	_ =	strace s4  }
0x96: {  	s4 =	sld [smem:$0x3FFD];
	_ =	sdelay $0x3  }
0x97: {  	_ =	strace s4  }
0x98: {  	_ =	strace $0x8FFFFFFF  }
0x99: {  	s20 =	sld [smem:$0x3FDB];
	_ =	sdelay $0x1  }
0x9a: {  	s5 =	simm.s32 $_scs_section_size  }
0x9b: {  	s6 =	simm.s32 $_size__tile_overlayer_lowered;
	s7 =	simm.s32 $_tile_overlayer_lowered  }
0x9c: {  	s23 =	simm.s32 $0x1BFF;
	s22 =	sshll.u32 s7, $0x1;
	s4 =	sadd.s32 s5, s20  }
0x9d: {  	s8 =	simm.s32 $0x0;
	s21 =	sshll.u32 s6, $0x1;
	s6 =	sadd.s32 s22, s4  }
0x9e: {  	[timem:s8], [sflag:s23] =	dma.local [hbm:s6], s21  }
0x9f: {  	_ =	swait.ge [sflag:s23], s21  }
0xa0: {  	s5 =	ssub.s32 $0x0, s21;
	[sflag:s23] =	ssyncset.done $0x0  }
0xa1: {  	[sflag:s23] =	ssyncadd.s32 s5;
	_ =	sdelay $0x1  }
0xa2: {  	s24 =	simm.s32 $0x1B8B  }
0xa3: {  	_ =	swait.ge [sflag:s24], $0x1  }
0xa4: {  	[sflag:s24] =	ssyncset.done $0x0  }
0xa5: {  	s25 =	simm.s32 $0x1B8E;
	[sflag:s24] =	ssyncadd.s32 $0xFFFFFFFF  }
0xa6: {  	s26 =	simm.s32 $execute0_lowered;
	[smem:$0x3FD2] =	sst s25  }
0xa7: {  	s5 =	sshll.u32 s26, $0x1;
	_ =	strace $0x80000046;
	[dreg:$0x1] =	wrdreg $0xFFFFFFFF  }
0xa8: {  	s28 =	simm.s32 $_size_execute0_lowered;
	s4 =	sadd.s32 s4, s5;
	[dreg:$0x0] =	wrdreg $0x0  }
0xa9: {  	s5 =	sshll.u32 s28, $0x1;
	[dreg:$0x2] =	wrdreg s4  }
0xaa: {  	[dreg:$0x3] =	wrdreg s5  }
0xab: {  	[dreg:$0x4] =	wrdreg $0xC0  }
0xac: {  	_ =	task [dreg:s8], $0x5FFFF  }
0xad: {  	[dreg:$0x1] =	wrdreg $0xFFFFFFFF  }
0xae: {  	[dreg:$0x0] =	wrdreg $0x60  }
0xaf: {  	[dreg:$0x2] =	wrdreg s2  }
0xb0: {  	[dreg:$0x3] =	wrdreg s19  }
0xb1: {  	[dreg:$0x4] =	wrdreg $0x9  }
0xb2: {  	_ =	task.clear_ibuf [dreg:s8], $0x5FFFF;
	_ =	strace $0x90000046  }
0xb3: {  	s29 =	simm.s32 $0x9;
	_ =	strace $0x80000048  }
0xb4: {  	_ =	swait.ge [sflag:s29], $0x1  }
0xb5: {  	[sflag:s29] =	ssyncadd.s32 $0xFFFFFFFF  }
0xb6: {  	_ =	strace $0x90000048  }
0xb7: {  	_ =	sfence  }
0xb8: {  	s30 =	sld [smem:$0x0];
	_ =	sdelay $0x2  }
0xb9: {  	s31 =	sshll.u32 s1, $0xD;
	s1 =	sshrl.u32 s1, $0x2  }
0xba: {  	s3 =	sand.u32 $0x4000, s31;
	s1 =	sadd.s32 s1, s30  }
0xbb: {  	s0 =	sor.u32 s3, s0;
	s1 =	sshll.u32 s1, $0x11  }
0xbc: {  	s0 =	sor.u32 s1, s0  }
0xbd: {  	s0 =	sadd.s32 $0x8F2B, s0  }
0xbe: {  	[sflag:s0] =	ssyncadd.remote.s32 $0x1  }
0xbf: {  	_ =	sfence.sel $0xFFFF  }
0xc0: {  	[dreg:$0x0] =	wrdreg $0xFFFFFFFF;
	(pc) =	sbr.abs _section_cstart, $3  }
0xc1: {  	[dreg:$0x1] =	wrdreg $0xFFFFFFFF  }
0xc2: {  	_ =	task.clear_ibuf [dreg:s8], $0x2FFFF;
	_ =	strace $0x9FFFFFFF  }
0xc3: {  	(tm) =	ssettm $0x7FFFFFFF  }
tec
execute0_lowered:
.L_overlay_start_1:
0x0: {  	(tag) =	ssettag $0x1  }
0x1: {  	s0 =	srdreg.scid  }
0x2: {  	s28 =	stileid.u32;
	s3 =	rddreg [dreg:$0x0]  }
0x3: {  	s8 =	rddreg [dreg:$0x1];
	s0 =	sand.u32 $0x1, s0;
	s1 =	sshll.u32 s28, $0x1  }
0x4: {  	s29 =	rddreg [dreg:$0x2];
	s2 =	simm.s32 $0x0;
	s1 =	sor.u32 s0, s1  }
0x5: {  	[smem:$0x7FF] =	sst s2;
	s0 =	ssub.s32 $0x2, s0;
	s4 =	smul.u32 $0xC800, s1  }
0x6: {  	p1 =	por $0x0, $0x0;
	_ =	strace $0x80000047;
	s21 =	sshrl.u32 s0, $0x1  }
0x7: {  	p0 =	sgt.u32 s1, $0x1C;
	s0 =	ssub.s32 s0, s21;
	s4 =	sshrl.u32 s4, $0x3  }
0x8: {  	s0 =	smax.u32 s0, $0x1;
	s5 =	sadd.s32 s3, s4;
	s24 =	sadd.s32 s8, s4  }
0x9: {  	s6 =	sadd.s32 $0x32000, s4;
	[dreg:$0x3] =	wrdreg s5;
	s12 =	sadd.s32 $0xC3500, s24  }
0xa: {  	s9 =	sadd.s32 $0x64000, s4;
	s13 =	sadd.s32 $0x186A00, s24;
	[dreg:$0x4] =	wrdreg s12  }
0xb: {  	s10 =	sadd.s32 $0x96000, s4;
	s14 =	sadd.s32 $0x249F00, s24;
	[dreg:$0x5] =	wrdreg s13  }
0xc: {  	s1 =	sadd.s32 $0xFFFFFFFF, s0;
	s15 =	sadd.s32 $0x30D400, s24;
	[dreg:$0x6] =	wrdreg s14  }
0xd: {  	s16 =	sadd.s32 $0x3D0900, s24;
	s17 =	sadd.s32 $0x493E00, s24;
	[dreg:$0x7] =	wrdreg s15  }
0xe: {  	s18 =	sadd.s32 $0x557300, s24;
	s19 =	sadd.s32 s3, s6;
	[dreg:$0x8] =	wrdreg s16  }
0xf: {  	s20 =	sadd.s32 s8, s6;
	s22 =	sadd.s32 $0xF5500, s24;
	[dreg:$0x9] =	wrdreg s17  }
0x10: {  	s23 =	sadd.s32 $0x1B8A00, s24;
	s25 =	sadd.s32 $0x27BF00, s24;
	[dreg:$0xa] =	wrdreg s18  }
0x11: {  	s26 =	sadd.s32 $0x33F400, s24;
	s30 =	sadd.s32 $0x402900, s24;
	[dreg:$0xb] =	wrdreg s19  }
0x12: {  	s7 =	sadd.s32 $0x4C5E00, s24;
	s31 =	sadd.s32 $0x589300, s24;
	[dreg:$0xc] =	wrdreg s20  }
0x13: {  	s21 =	sadd.s32 s8, s9;
	s4 =	sadd.s32 $0x159500, s24;
	[dreg:$0xd] =	wrdreg s22  }
0x14: {  	s5 =	sadd.s32 $0x21CA00, s24;
	s6 =	sadd.s32 $0x2DFF00, s24;
	[dreg:$0xe] =	wrdreg s23  }
0x15: {  	s11 =	sadd.s32 s8, s10;
	s8 =	sadd.s32 $0x466900, s24;
	[dreg:$0xf] =	wrdreg s25  }
0x16: {  	p2 =	sne.s32 s1, $0x0;
	[dreg:$0x10] =	wrdreg s26;
	s13 =	sadd.s32 $0x127500, s24  }
0x17: {  	[dreg:$0x11] =	wrdreg s30;
	s14 =	sadd.s32 $0x1EAA00, s24;
	s16 =	sadd.s32 $0x2ADF00, s24  }
0x18: {  	[dreg:$0x12] =	wrdreg s7;
	s17 =	sadd.s32 $0x371400, s24;
	s18 =	sadd.s32 $0x434900, s24  }
.Ltmp0:
0x19: {  	[dreg:$0x13] =	wrdreg s31;
	s19 =	sadd.s32 $0x4F7E00, s24;
	(pc) =	sbr.rel @!p2 .LBB2_1-.Ltmp0, $4  }
0x1a: {  	s22 =	sadd.s32 s3, s9;
	s20 =	sadd.s32 $0x5BB300, s24;
	s7 =	sadd.s32 $0x3A3400, s24  }
0x1b: {  	s12 =	sadd.s32 s3, s10;
	s9 =	sadd.s32 $0x529E00, s24;
	s10 =	sadd.s32 $0x5ED300, s24  }
0x1c: {  	s23 =	simm.s32 $0x1;
	s25 =	simm.s32 $0xC800;
	s26 =	simm.s32 $0x2  }
0x1d: {  	s3 =	simm.s32 $0x3;
	s15 =	simm.s32 $0x4;
	s0 =	rddreg [dreg:$0x3]  }
0x1e: {  	[tilespmem:s2], [sflag:$0x1] =	stream.linear.gather [hbm4b:s0+s2], $0xC800, $0x38;
	[tilespmem:$0x19000] =	vst v63  }
0x1f: {  	_ =	swait.ge [sflag:s23], $0xC800  }
0x20: {  	[sflag:s23] =	ssyncset.done $0x0  }
0x21: {  	[sflag:s23] =	ssyncadd.s32 $0xFFFF3800  }
0x22: {  	[hbm4b:s24+s2] =	stream.linear.scatter [tilespmem:s2], [sflag:$0x3], $0xC800, $0x38;
	[tilespmem:$0x19000] =	vst v63  }
0x23: {  	s0 =	rddreg [dreg:$0x4]  }
0x24: {  	[hbm4b:s0+s2] =	stream.linear.scatter [tilespmem:s2], [sflag:$0x3], $0xC800, $0x38;
	[tilespmem:$0x19000] =	vst v63  }
0x25: {  	s28 =	rddreg [dreg:$0x5]  }
0x26: {  	[hbm4b:s28+s2] =	stream.linear.scatter [tilespmem:s2], [sflag:$0x3], $0xC800, $0x38;
	[tilespmem:$0x19000] =	vst v63  }
0x27: {  	s0 =	rddreg [dreg:$0x6]  }
0x28: {  	[hbm4b:s0+s2] =	stream.linear.scatter [tilespmem:s2], [sflag:$0x3], $0xC800, $0x38;
	[tilespmem:$0x19000] =	vst v63  }
0x29: {  	s28 =	rddreg [dreg:$0x7]  }
0x2a: {  	[hbm4b:s28+s2] =	stream.linear.scatter [tilespmem:s2], [sflag:$0x3], $0xC800, $0x38;
	[tilespmem:$0x19000] =	vst v63  }
0x2b: {  	s0 =	rddreg [dreg:$0x8]  }
0x2c: {  	[hbm4b:s0+s2] =	stream.linear.scatter [tilespmem:s2], [sflag:$0x3], $0xC800, $0x38;
	[tilespmem:$0x19000] =	vst v63  }
0x2d: {  	s28 =	rddreg [dreg:$0x9]  }
0x2e: {  	[hbm4b:s28+s2] =	stream.linear.scatter [tilespmem:s2], [sflag:$0x3], $0xC800, $0x38;
	[tilespmem:$0x19000] =	vst v63  }
0x2f: {  	s0 =	rddreg [dreg:$0xa]  }
0x30: {  	[hbm4b:s0+s2] =	stream.linear.scatter [tilespmem:s2], [sflag:$0x3], $0xC800, $0x38;
	[tilespmem:$0x19000] =	vst v63  }
0x31: {  	s28 =	rddreg [dreg:$0xb]  }
0x32: {  	[tilespmem:s25], [sflag:$0x2] =	stream.linear.gather [hbm4b:s28+s2], $0xC800, $0x38;
	[tilespmem:$0x19000] =	vst v63  }
0x33: {  	_ =	swait.ge [sflag:s26], $0xC800  }
0x34: {  	[sflag:s26] =	ssyncset.done $0x0  }
0x35: {  	s0 =	rddreg [dreg:$0xc];
	[sflag:s26] =	ssyncadd.s32 $0xFFFF3800  }
0x36: {  	[hbm4b:s0+s2] =	stream.linear.scatter [tilespmem:s25], [sflag:$0x4], $0xC800, $0x38;
	[tilespmem:$0x19000] =	vst v63  }
0x37: {  	s28 =	rddreg [dreg:$0xd]  }
0x38: {  	[hbm4b:s28+s2] =	stream.linear.scatter [tilespmem:s25], [sflag:$0x4], $0xC800, $0x38;
	[tilespmem:$0x19000] =	vst v63  }
0x39: {  	s26 =	rddreg [dreg:$0xe]  }
0x3a: {  	[hbm4b:s26+s2] =	stream.linear.scatter [tilespmem:s25], [sflag:$0x4], $0xC800, $0x38;
	[tilespmem:$0x19000] =	vst v63  }
0x3b: {  	s28 =	rddreg [dreg:$0xf]  }
0x3c: {  	[hbm4b:s28+s2] =	stream.linear.scatter [tilespmem:s25], [sflag:$0x4], $0xC800, $0x38;
	[tilespmem:$0x19000] =	vst v63  }
0x3d: {  	s26 =	rddreg [dreg:$0x10]  }
0x3e: {  	[hbm4b:s26+s2] =	stream.linear.scatter [tilespmem:s25], [sflag:$0x4], $0xC800, $0x38;
	[tilespmem:$0x19000] =	vst v63  }
0x3f: {  	s28 =	rddreg [dreg:$0x11]  }
0x40: {  	[hbm4b:s28+s2] =	stream.linear.scatter [tilespmem:s25], [sflag:$0x4], $0xC800, $0x38;
	[tilespmem:$0x19000] =	vst v63  }
0x41: {  	s26 =	rddreg [dreg:$0x12]  }
0x42: {  	[hbm4b:s26+s2] =	stream.linear.scatter [tilespmem:s25], [sflag:$0x4], $0xC800, $0x38;
	[tilespmem:$0x19000] =	vst v63  }
0x43: {  	s28 =	rddreg [dreg:$0x13]  }
0x44: {  	[hbm4b:s28+s2] =	stream.linear.scatter [tilespmem:s25], [sflag:$0x4], $0xC800, $0x38;
	[tilespmem:$0x19000] =	vst v63  }
0x45: {  	_ =	swait.ge [sflag:s3], $0xC800  }
0x46: {  	[sflag:s3] =	ssyncset.done $0x0  }
0x47: {  	[sflag:s3] =	ssyncadd.s32 $0xFFFF3800  }
0x48: {  	_ =	swait.ge [sflag:s3], $0xC800  }
0x49: {  	[sflag:s3] =	ssyncset.done $0x0  }
0x4a: {  	[sflag:s3] =	ssyncadd.s32 $0xFFFF3800  }
0x4b: {  	_ =	swait.ge [sflag:s3], $0xC800  }
0x4c: {  	[sflag:s3] =	ssyncset.done $0x0  }
0x4d: {  	[sflag:s3] =	ssyncadd.s32 $0xFFFF3800  }
0x4e: {  	_ =	swait.ge [sflag:s3], $0xC800  }
0x4f: {  	[sflag:s3] =	ssyncset.done $0x0  }
0x50: {  	[sflag:s3] =	ssyncadd.s32 $0xFFFF3800  }
0x51: {  	_ =	swait.ge [sflag:s3], $0xC800  }
0x52: {  	[sflag:s3] =	ssyncset.done $0x0  }
0x53: {  	[sflag:s3] =	ssyncadd.s32 $0xFFFF3800  }
0x54: {  	_ =	swait.ge [sflag:s3], $0xC800  }
0x55: {  	[sflag:s3] =	ssyncset.done $0x0  }
0x56: {  	[sflag:s3] =	ssyncadd.s32 $0xFFFF3800  }
0x57: {  	_ =	swait.ge [sflag:s3], $0xC800  }
0x58: {  	[sflag:s3] =	ssyncset.done $0x0  }
0x59: {  	[sflag:s3] =	ssyncadd.s32 $0xFFFF3800  }
0x5a: {  	_ =	swait.ge [sflag:s3], $0xC800  }
0x5b: {  	[sflag:s3] =	ssyncset.done $0x0  }
0x5c: {  	[sflag:s3] =	ssyncadd.s32 $0xFFFF3800  }
0x5d: {  	[tilespmem:s2], [sflag:$0x1] =	stream.linear.gather [hbm4b:s22+s2], $0xC800, $0x38;
	[tilespmem:$0x19000] =	vst v63  }
0x5e: {  	_ =	swait.ge [sflag:s23], $0xC800  }
0x5f: {  	[sflag:s23] =	ssyncset.done $0x0  }
0x60: {  	[sflag:s23] =	ssyncadd.s32 $0xFFFF3800  }
0x61: {  	[hbm4b:s21+s2] =	stream.linear.scatter [tilespmem:s2], [sflag:$0x3], $0xC800, $0x38;
	[tilespmem:$0x19000] =	vst v63  }
0x62: {  	_ = 	snop  }
0x63: {  	[hbm4b:s13+s2] =	stream.linear.scatter [tilespmem:s2], [sflag:$0x3], $0xC800, $0x38;
	[tilespmem:$0x19000] =	vst v63  }
0x64: {  	_ = 	snop  }
0x65: {  	[hbm4b:s14+s2] =	stream.linear.scatter [tilespmem:s2], [sflag:$0x3], $0xC800, $0x38;
	[tilespmem:$0x19000] =	vst v63  }
0x66: {  	_ = 	snop  }
0x67: {  	[hbm4b:s16+s2] =	stream.linear.scatter [tilespmem:s2], [sflag:$0x3], $0xC800, $0x38;
	[tilespmem:$0x19000] =	vst v63  }
0x68: {  	_ = 	snop  }
0x69: {  	[hbm4b:s17+s2] =	stream.linear.scatter [tilespmem:s2], [sflag:$0x3], $0xC800, $0x38;
	[tilespmem:$0x19000] =	vst v63  }
0x6a: {  	_ = 	snop  }
0x6b: {  	[hbm4b:s18+s2] =	stream.linear.scatter [tilespmem:s2], [sflag:$0x3], $0xC800, $0x38;
	[tilespmem:$0x19000] =	vst v63  }
0x6c: {  	_ = 	snop  }
0x6d: {  	[hbm4b:s19+s2] =	stream.linear.scatter [tilespmem:s2], [sflag:$0x3], $0xC800, $0x38;
	[tilespmem:$0x19000] =	vst v63  }
0x6e: {  	_ = 	snop  }
0x6f: {  	[hbm4b:s20+s2] =	stream.linear.scatter [tilespmem:s2], [sflag:$0x3], $0xC800, $0x38;
	[tilespmem:$0x19000] =	vst v63  }
0x70: {  	_ =	swait.ge [sflag:s15], $0xC800  }
0x71: {  	[sflag:s15] =	ssyncset.done $0x0  }
0x72: {  	[sflag:s15] =	ssyncadd.s32 $0xFFFF3800  }
0x73: {  	_ =	swait.ge [sflag:s15], $0xC800  }
0x74: {  	[sflag:s15] =	ssyncset.done $0x0  }
0x75: {  	[sflag:s15] =	ssyncadd.s32 $0xFFFF3800  }
0x76: {  	_ =	swait.ge [sflag:s15], $0xC800  }
0x77: {  	[sflag:s15] =	ssyncset.done $0x0  }
0x78: {  	[sflag:s15] =	ssyncadd.s32 $0xFFFF3800  }
0x79: {  	_ =	swait.ge [sflag:s15], $0xC800  }
0x7a: {  	[sflag:s15] =	ssyncset.done $0x0  }
0x7b: {  	[sflag:s15] =	ssyncadd.s32 $0xFFFF3800  }
0x7c: {  	_ =	swait.ge [sflag:s15], $0xC800  }
0x7d: {  	[sflag:s15] =	ssyncset.done $0x0  }
0x7e: {  	[sflag:s15] =	ssyncadd.s32 $0xFFFF3800  }
0x7f: {  	_ =	swait.ge [sflag:s15], $0xC800  }
0x80: {  	[sflag:s15] =	ssyncset.done $0x0  }
0x81: {  	[sflag:s15] =	ssyncadd.s32 $0xFFFF3800  }
0x82: {  	_ =	swait.ge [sflag:s15], $0xC800  }
0x83: {  	[sflag:s15] =	ssyncset.done $0x0  }
0x84: {  	[sflag:s15] =	ssyncadd.s32 $0xFFFF3800  }
0x85: {  	_ =	swait.ge [sflag:s15], $0xC800  }
0x86: {  	s29 =	simm.s32 @!p0 $0x0;
	[sflag:s15] =	ssyncset.done $0x0  }
0x87: {  	s30 =	simm.s32 @!p0 $0xC800;
	s0 =	simm.s32 @!p0 $0x2;
	[sflag:s15] =	ssyncadd.s32 $0xFFFF3800  }
0x88: {  	[tilespmem:s30], [sflag:$0x2] =	stream.linear.gather @!p0 [hbm4b:s12+s29], $0xC800, $0x38;
	[tilespmem:$0x19000] =	vst v63  }
0x89: {  	_ =	swait.ge @!p0 [sflag:s0], $0xC800  }
0x8a: {  	[sflag:s0] =	ssyncset.done @!p0 $0x0  }
0x8b: {  	[sflag:s0] =	ssyncadd.s32 @!p0 $0xFFFF3800  }
0x8c: {  	[hbm4b:s11+s29] =	stream.linear.scatter @!p0 [tilespmem:s30], [sflag:$0x4], $0xC800, $0x38;
	[tilespmem:$0x19000] =	vst v63  }
0x8d: {  	_ = 	snop  }
0x8e: {  	[hbm4b:s4+s29] =	stream.linear.scatter @!p0 [tilespmem:s30], [sflag:$0x4], $0xC800, $0x38;
	[tilespmem:$0x19000] =	vst v63  }
0x8f: {  	_ = 	snop  }
0x90: {  	[hbm4b:s5+s29] =	stream.linear.scatter @!p0 [tilespmem:s30], [sflag:$0x4], $0xC800, $0x38;
	[tilespmem:$0x19000] =	vst v63  }
0x91: {  	_ = 	snop  }
0x92: {  	[hbm4b:s6+s29] =	stream.linear.scatter @!p0 [tilespmem:s30], [sflag:$0x4], $0xC800, $0x38;
	[tilespmem:$0x19000] =	vst v63  }
0x93: {  	_ = 	snop  }
0x94: {  	[hbm4b:s7+s29] =	stream.linear.scatter @!p0 [tilespmem:s30], [sflag:$0x4], $0xC800, $0x38;
	[tilespmem:$0x19000] =	vst v63  }
0x95: {  	_ = 	snop  }
0x96: {  	[hbm4b:s8+s29] =	stream.linear.scatter @!p0 [tilespmem:s30], [sflag:$0x4], $0xC800, $0x38;
	[tilespmem:$0x19000] =	vst v63  }
0x97: {  	_ = 	snop  }
0x98: {  	[hbm4b:s9+s29] =	stream.linear.scatter @!p0 [tilespmem:s30], [sflag:$0x4], $0xC800, $0x38;
	[tilespmem:$0x19000] =	vst v63  }
0x99: {  	_ = 	snop  }
0x9a: {  	[hbm4b:s10+s29] =	stream.linear.scatter @!p0 [tilespmem:s30], [sflag:$0x4], $0xC800, $0x38;
	[tilespmem:$0x19000] =	vst v63  }
0x9b: {  	_ =	swait.ge [sflag:s3], $0xC800  }
0x9c: {  	[sflag:s3] =	ssyncset.done $0x0  }
0x9d: {  	[sflag:s3] =	ssyncadd.s32 $0xFFFF3800  }
0x9e: {  	_ =	swait.ge [sflag:s3], $0xC800  }
0x9f: {  	[sflag:s3] =	ssyncset.done $0x0  }
0xa0: {  	[sflag:s3] =	ssyncadd.s32 $0xFFFF3800  }
0xa1: {  	_ =	swait.ge [sflag:s3], $0xC800  }
0xa2: {  	[sflag:s3] =	ssyncset.done $0x0  }
0xa3: {  	[sflag:s3] =	ssyncadd.s32 $0xFFFF3800  }
0xa4: {  	_ =	swait.ge [sflag:s3], $0xC800  }
0xa5: {  	[sflag:s3] =	ssyncset.done $0x0  }
0xa6: {  	[sflag:s3] =	ssyncadd.s32 $0xFFFF3800  }
0xa7: {  	_ =	swait.ge [sflag:s3], $0xC800  }
0xa8: {  	[sflag:s3] =	ssyncset.done $0x0  }
0xa9: {  	[sflag:s3] =	ssyncadd.s32 $0xFFFF3800  }
0xaa: {  	_ =	swait.ge [sflag:s3], $0xC800  }
0xab: {  	[sflag:s3] =	ssyncset.done $0x0  }
0xac: {  	[sflag:s3] =	ssyncadd.s32 $0xFFFF3800  }
0xad: {  	_ =	swait.ge [sflag:s3], $0xC800  }
0xae: {  	[sflag:s3] =	ssyncset.done $0x0  }
0xaf: {  	[sflag:s3] =	ssyncadd.s32 $0xFFFF3800  }
0xb0: {  	_ =	swait.ge [sflag:s3], $0xC800  }
0xb1: {  	[sflag:s3] =	ssyncset.done $0x0  }
0xb2: {  	s31 =	simm.s32 @!p0 $0x4;
	[sflag:s3] =	ssyncadd.s32 $0xFFFF3800  }
0xb3: {  	_ =	swait.ge @!p0 [sflag:s31], $0xC800  }
0xb4: {  	[sflag:s31] =	ssyncset.done @!p0 $0x0  }
0xb5: {  	[sflag:s31] =	ssyncadd.s32 @!p0 $0xFFFF3800  }
0xb6: {  	_ =	swait.ge @!p0 [sflag:s31], $0xC800  }
0xb7: {  	[sflag:s31] =	ssyncset.done @!p0 $0x0  }
0xb8: {  	[sflag:s31] =	ssyncadd.s32 @!p0 $0xFFFF3800  }
0xb9: {  	_ =	swait.ge @!p0 [sflag:s31], $0xC800  }
0xba: {  	[sflag:s31] =	ssyncset.done @!p0 $0x0  }
0xbb: {  	[sflag:s31] =	ssyncadd.s32 @!p0 $0xFFFF3800  }
0xbc: {  	_ =	swait.ge @!p0 [sflag:s31], $0xC800  }
0xbd: {  	[sflag:s31] =	ssyncset.done @!p0 $0x0  }
0xbe: {  	[sflag:s31] =	ssyncadd.s32 @!p0 $0xFFFF3800  }
0xbf: {  	_ =	swait.ge @!p0 [sflag:s31], $0xC800  }
0xc0: {  	[sflag:s31] =	ssyncset.done @!p0 $0x0  }
0xc1: {  	[sflag:s31] =	ssyncadd.s32 @!p0 $0xFFFF3800  }
0xc2: {  	_ =	swait.ge @!p0 [sflag:s31], $0xC800  }
0xc3: {  	s1 =	sadd.s32 $0xFFFFFFFF, s1;
	[sflag:s31] =	ssyncset.done @!p0 $0x0  }
0xc4: {  	p2 =	sne.s32 s1, $0x0;
	[sflag:s31] =	ssyncadd.s32 @!p0 $0xFFFF3800  }
.Ltmp1:
0xc5: {  	_ =	swait.ge @!p0 [sflag:s31], $0xC800;
	(pc) =	sbr.rel @!p2 .LBB2_3-.Ltmp1, $4  }
0xc6: {  	[sflag:s31] =	ssyncset.done @!p0 $0x0  }
0xc7: {  	[sflag:s31] =	ssyncadd.s32 @!p0 $0xFFFF3800  }
0xc8: {  	p1 =	por $0x1, $0x1;
	_ =	swait.ge @!p0 [sflag:s31], $0xC800  }
0xc9: {  	s28 =	simm.s32 $0x2;
	s0 =	rddreg [dreg:$0x3];
	[sflag:s31] =	ssyncset.done @!p0 $0x0  }
.LBB2_4:
0xca: {  	[sflag:s31] =	ssyncadd.s32 @!p0 $0xFFFF3800  }
0xcb: {  	[tilespmem:s2], [sflag:$0x1] =	stream.linear.gather [hbm4b:s0+s2], $0xC800, $0x38;
	[tilespmem:$0x19000] =	vst v63  }
0xcc: {  	_ =	swait.ge [sflag:s23], $0xC800  }
0xcd: {  	[sflag:s23] =	ssyncset.done $0x0  }
0xce: {  	[sflag:s23] =	ssyncadd.s32 $0xFFFF3800  }
0xcf: {  	[hbm4b:s24+s2] =	stream.linear.scatter [tilespmem:s2], [sflag:$0x3], $0xC800, $0x38;
	[tilespmem:$0x19000] =	vst v63  }
0xd0: {  	s26 =	smov.u32 s24;
	s0 =	rddreg [dreg:$0x4];
	s24 =	smov.u32 s22  }
0xd1: {  	s22 =	smov.u32 s21;
	s21 =	smov.u32 s20;
	s20 =	smov.u32 s19  }
0xd2: {  	s19 =	smov.u32 s18;
	s18 =	smov.u32 s17;
	s17 =	smov.u32 s16  }
0xd3: {  	s16 =	smov.u32 s14;
	s14 =	smov.u32 s13;
	s13 =	smov.u32 s12  }
0xd4: {  	s12 =	smov.u32 s11;
	s11 =	smov.u32 s10;
	s10 =	smov.u32 s9  }
0xd5: {  	s9 =	smov.u32 s8;
	s8 =	smov.u32 s7;
	s7 =	smov.u32 s6  }
0xd6: {  	[hbm4b:s0+s2] =	stream.linear.scatter [tilespmem:s2], [sflag:$0x3], $0xC800, $0x38;
	[tilespmem:$0x19000] =	vst v63  }
0xd7: {  	s6 =	smov.u32 s5;
	s5 =	smov.u32 s4;
	s4 =	rddreg [dreg:$0x5]  }
0xd8: {  	[hbm4b:s4+s2] =	stream.linear.scatter [tilespmem:s2], [sflag:$0x3], $0xC800, $0x38;
	[tilespmem:$0x19000] =	vst v63  }
0xd9: {  	s0 =	rddreg [dreg:$0x6]  }
0xda: {  	[hbm4b:s0+s2] =	stream.linear.scatter [tilespmem:s2], [sflag:$0x3], $0xC800, $0x38;
	[tilespmem:$0x19000] =	vst v63  }
0xdb: {  	s4 =	rddreg [dreg:$0x7]  }
0xdc: {  	[hbm4b:s4+s2] =	stream.linear.scatter [tilespmem:s2], [sflag:$0x3], $0xC800, $0x38;
	[tilespmem:$0x19000] =	vst v63  }
0xdd: {  	s0 =	rddreg [dreg:$0x8]  }
0xde: {  	[hbm4b:s0+s2] =	stream.linear.scatter [tilespmem:s2], [sflag:$0x3], $0xC800, $0x38;
	[tilespmem:$0x19000] =	vst v63  }
0xdf: {  	s4 =	rddreg [dreg:$0x9]  }
0xe0: {  	[hbm4b:s4+s2] =	stream.linear.scatter [tilespmem:s2], [sflag:$0x3], $0xC800, $0x38;
	[tilespmem:$0x19000] =	vst v63  }
0xe1: {  	s0 =	rddreg [dreg:$0xa]  }
0xe2: {  	[hbm4b:s0+s2] =	stream.linear.scatter [tilespmem:s2], [sflag:$0x3], $0xC800, $0x38;
	[tilespmem:$0x19000] =	vst v63  }
0xe3: {  	s4 =	rddreg [dreg:$0xb]  }
0xe4: {  	[tilespmem:s25], [sflag:$0x2] =	stream.linear.gather [hbm4b:s4+s2], $0xC800, $0x38;
	[tilespmem:$0x19000] =	vst v63  }
0xe5: {  	_ =	swait.ge [sflag:s28], $0xC800  }
0xe6: {  	[sflag:s28] =	ssyncset.done $0x0  }
0xe7: {  	s0 =	rddreg [dreg:$0xc];
	[sflag:s28] =	ssyncadd.s32 $0xFFFF3800  }
0xe8: {  	[hbm4b:s0+s2] =	stream.linear.scatter [tilespmem:s25], [sflag:$0x4], $0xC800, $0x38;
	[tilespmem:$0x19000] =	vst v63  }
0xe9: {  	s4 =	rddreg [dreg:$0xd]  }
0xea: {  	[hbm4b:s4+s2] =	stream.linear.scatter [tilespmem:s25], [sflag:$0x4], $0xC800, $0x38;
	[tilespmem:$0x19000] =	vst v63  }
0xeb: {  	s0 =	rddreg [dreg:$0xe]  }
0xec: {  	[hbm4b:s0+s2] =	stream.linear.scatter [tilespmem:s25], [sflag:$0x4], $0xC800, $0x38;
	[tilespmem:$0x19000] =	vst v63  }
0xed: {  	s4 =	rddreg [dreg:$0xf]  }
0xee: {  	[hbm4b:s4+s2] =	stream.linear.scatter [tilespmem:s25], [sflag:$0x4], $0xC800, $0x38;
	[tilespmem:$0x19000] =	vst v63  }
0xef: {  	s0 =	rddreg [dreg:$0x10]  }
0xf0: {  	[hbm4b:s0+s2] =	stream.linear.scatter [tilespmem:s25], [sflag:$0x4], $0xC800, $0x38;
	[tilespmem:$0x19000] =	vst v63  }
0xf1: {  	s4 =	rddreg [dreg:$0x11]  }
0xf2: {  	[hbm4b:s4+s2] =	stream.linear.scatter [tilespmem:s25], [sflag:$0x4], $0xC800, $0x38;
	[tilespmem:$0x19000] =	vst v63  }
0xf3: {  	s0 =	rddreg [dreg:$0x12]  }
0xf4: {  	[hbm4b:s0+s2] =	stream.linear.scatter [tilespmem:s25], [sflag:$0x4], $0xC800, $0x38;
	[tilespmem:$0x19000] =	vst v63  }
0xf5: {  	s4 =	rddreg [dreg:$0x13]  }
0xf6: {  	[hbm4b:s4+s2] =	stream.linear.scatter [tilespmem:s25], [sflag:$0x4], $0xC800, $0x38;
	[tilespmem:$0x19000] =	vst v63  }
0xf7: {  	_ =	swait.ge [sflag:s3], $0xC800  }
0xf8: {  	[sflag:s3] =	ssyncset.done $0x0  }
0xf9: {  	[sflag:s3] =	ssyncadd.s32 $0xFFFF3800  }
0xfa: {  	_ =	swait.ge [sflag:s3], $0xC800  }
0xfb: {  	[sflag:s3] =	ssyncset.done $0x0  }
0xfc: {  	[sflag:s3] =	ssyncadd.s32 $0xFFFF3800  }
0xfd: {  	_ =	swait.ge [sflag:s3], $0xC800  }
0xfe: {  	[sflag:s3] =	ssyncset.done $0x0  }
0xff: {  	[sflag:s3] =	ssyncadd.s32 $0xFFFF3800  }
0x100: {  	_ =	swait.ge [sflag:s3], $0xC800  }
0x101: {  	[sflag:s3] =	ssyncset.done $0x0  }
0x102: {  	[sflag:s3] =	ssyncadd.s32 $0xFFFF3800  }
0x103: {  	_ =	swait.ge [sflag:s3], $0xC800  }
0x104: {  	[sflag:s3] =	ssyncset.done $0x0  }
0x105: {  	[sflag:s3] =	ssyncadd.s32 $0xFFFF3800  }
0x106: {  	s4 =	smov.u32 s5;
	s5 =	smov.u32 s6;
	_ =	swait.ge [sflag:s3], $0xC800  }
0x107: {  	s6 =	smov.u32 s7;
	s7 =	smov.u32 s8;
	[sflag:s3] =	ssyncset.done $0x0  }
0x108: {  	s8 =	smov.u32 s9;
	s9 =	smov.u32 s10;
	[sflag:s3] =	ssyncadd.s32 $0xFFFF3800  }
0x109: {  	s10 =	smov.u32 s11;
	s11 =	smov.u32 s12;
	_ =	swait.ge [sflag:s3], $0xC800  }
0x10a: {  	s12 =	smov.u32 s13;
	s13 =	smov.u32 s14;
	[sflag:s3] =	ssyncset.done $0x0  }
0x10b: {  	s14 =	smov.u32 s16;
	s16 =	smov.u32 s17;
	[sflag:s3] =	ssyncadd.s32 $0xFFFF3800  }
0x10c: {  	s17 =	smov.u32 s18;
	s18 =	smov.u32 s19;
	_ =	swait.ge [sflag:s3], $0xC800  }
0x10d: {  	s19 =	smov.u32 s20;
	s20 =	smov.u32 s21;
	[sflag:s3] =	ssyncset.done $0x0  }
0x10e: {  	s21 =	smov.u32 s22;
	s22 =	smov.u32 s24;
	[sflag:s3] =	ssyncadd.s32 $0xFFFF3800  }
0x10f: {  	[tilespmem:s2], [sflag:$0x1] =	stream.linear.gather [hbm4b:s22+s2], $0xC800, $0x38;
	[tilespmem:$0x19000] =	vst v63  }
0x110: {  	_ =	swait.ge [sflag:s23], $0xC800  }
0x111: {  	[sflag:s23] =	ssyncset.done $0x0  }
0x112: {  	[sflag:s23] =	ssyncadd.s32 $0xFFFF3800  }
0x113: {  	[hbm4b:s21+s2] =	stream.linear.scatter [tilespmem:s2], [sflag:$0x3], $0xC800, $0x38;
	[tilespmem:$0x19000] =	vst v63  }
0x114: {  	_ = 	snop  }
0x115: {  	[hbm4b:s13+s2] =	stream.linear.scatter [tilespmem:s2], [sflag:$0x3], $0xC800, $0x38;
	[tilespmem:$0x19000] =	vst v63  }
0x116: {  	_ = 	snop  }
0x117: {  	[hbm4b:s14+s2] =	stream.linear.scatter [tilespmem:s2], [sflag:$0x3], $0xC800, $0x38;
	[tilespmem:$0x19000] =	vst v63  }
0x118: {  	_ = 	snop  }
0x119: {  	[hbm4b:s16+s2] =	stream.linear.scatter [tilespmem:s2], [sflag:$0x3], $0xC800, $0x38;
	[tilespmem:$0x19000] =	vst v63  }
0x11a: {  	_ = 	snop  }
0x11b: {  	[hbm4b:s17+s2] =	stream.linear.scatter [tilespmem:s2], [sflag:$0x3], $0xC800, $0x38;
	[tilespmem:$0x19000] =	vst v63  }
0x11c: {  	_ = 	snop  }
0x11d: {  	[hbm4b:s18+s2] =	stream.linear.scatter [tilespmem:s2], [sflag:$0x3], $0xC800, $0x38;
	[tilespmem:$0x19000] =	vst v63  }
0x11e: {  	_ = 	snop  }
0x11f: {  	[hbm4b:s19+s2] =	stream.linear.scatter [tilespmem:s2], [sflag:$0x3], $0xC800, $0x38;
	[tilespmem:$0x19000] =	vst v63  }
0x120: {  	_ = 	snop  }
0x121: {  	[hbm4b:s20+s2] =	stream.linear.scatter [tilespmem:s2], [sflag:$0x3], $0xC800, $0x38;
	[tilespmem:$0x19000] =	vst v63  }
0x122: {  	_ =	swait.ge [sflag:s15], $0xC800  }
0x123: {  	[sflag:s15] =	ssyncset.done $0x0  }
0x124: {  	[sflag:s15] =	ssyncadd.s32 $0xFFFF3800  }
0x125: {  	_ =	swait.ge [sflag:s15], $0xC800  }
0x126: {  	[sflag:s15] =	ssyncset.done $0x0  }
0x127: {  	[sflag:s15] =	ssyncadd.s32 $0xFFFF3800  }
0x128: {  	_ =	swait.ge [sflag:s15], $0xC800  }
0x129: {  	[sflag:s15] =	ssyncset.done $0x0  }
0x12a: {  	[sflag:s15] =	ssyncadd.s32 $0xFFFF3800  }
0x12b: {  	_ =	swait.ge [sflag:s15], $0xC800  }
0x12c: {  	[sflag:s15] =	ssyncset.done $0x0  }
0x12d: {  	[sflag:s15] =	ssyncadd.s32 $0xFFFF3800  }
0x12e: {  	_ =	swait.ge [sflag:s15], $0xC800  }
0x12f: {  	[sflag:s15] =	ssyncset.done $0x0  }
0x130: {  	[sflag:s15] =	ssyncadd.s32 $0xFFFF3800  }
0x131: {  	_ =	swait.ge [sflag:s15], $0xC800  }
0x132: {  	[sflag:s15] =	ssyncset.done $0x0  }
0x133: {  	[sflag:s15] =	ssyncadd.s32 $0xFFFF3800  }
0x134: {  	_ =	swait.ge [sflag:s15], $0xC800  }
0x135: {  	[sflag:s15] =	ssyncset.done $0x0  }
0x136: {  	[sflag:s15] =	ssyncadd.s32 $0xFFFF3800  }
0x137: {  	_ =	swait.ge [sflag:s15], $0xC800  }
0x138: {  	[sflag:s15] =	ssyncset.done $0x0  }
0x139: {  	s0 =	simm.s32 @!p0 $0x2;
	[sflag:s15] =	ssyncadd.s32 $0xFFFF3800  }
0x13a: {  	[tilespmem:s30], [sflag:$0x2] =	stream.linear.gather @!p0 [hbm4b:s12+s29], $0xC800, $0x38;
	[tilespmem:$0x19000] =	vst v63  }
0x13b: {  	_ =	swait.ge @!p0 [sflag:s0], $0xC800  }
0x13c: {  	[sflag:s0] =	ssyncset.done @!p0 $0x0  }
0x13d: {  	[sflag:s0] =	ssyncadd.s32 @!p0 $0xFFFF3800  }
0x13e: {  	[hbm4b:s11+s29] =	stream.linear.scatter @!p0 [tilespmem:s30], [sflag:$0x4], $0xC800, $0x38;
	[tilespmem:$0x19000] =	vst v63  }
0x13f: {  	_ = 	snop  }
0x140: {  	[hbm4b:s4+s29] =	stream.linear.scatter @!p0 [tilespmem:s30], [sflag:$0x4], $0xC800, $0x38;
	[tilespmem:$0x19000] =	vst v63  }
0x141: {  	_ = 	snop  }
0x142: {  	[hbm4b:s5+s29] =	stream.linear.scatter @!p0 [tilespmem:s30], [sflag:$0x4], $0xC800, $0x38;
	[tilespmem:$0x19000] =	vst v63  }
0x143: {  	_ = 	snop  }
0x144: {  	[hbm4b:s6+s29] =	stream.linear.scatter @!p0 [tilespmem:s30], [sflag:$0x4], $0xC800, $0x38;
	[tilespmem:$0x19000] =	vst v63  }
0x145: {  	_ = 	snop  }
0x146: {  	[hbm4b:s7+s29] =	stream.linear.scatter @!p0 [tilespmem:s30], [sflag:$0x4], $0xC800, $0x38;
	[tilespmem:$0x19000] =	vst v63  }
0x147: {  	_ = 	snop  }
0x148: {  	[hbm4b:s8+s29] =	stream.linear.scatter @!p0 [tilespmem:s30], [sflag:$0x4], $0xC800, $0x38;
	[tilespmem:$0x19000] =	vst v63  }
0x149: {  	_ = 	snop  }
0x14a: {  	[hbm4b:s9+s29] =	stream.linear.scatter @!p0 [tilespmem:s30], [sflag:$0x4], $0xC800, $0x38;
	[tilespmem:$0x19000] =	vst v63  }
0x14b: {  	_ = 	snop  }
0x14c: {  	[hbm4b:s10+s29] =	stream.linear.scatter @!p0 [tilespmem:s30], [sflag:$0x4], $0xC800, $0x38;
	[tilespmem:$0x19000] =	vst v63  }
0x14d: {  	_ =	swait.ge [sflag:s3], $0xC800  }
0x14e: {  	[sflag:s3] =	ssyncset.done $0x0  }
0x14f: {  	[sflag:s3] =	ssyncadd.s32 $0xFFFF3800  }
0x150: {  	_ =	swait.ge [sflag:s3], $0xC800  }
0x151: {  	[sflag:s3] =	ssyncset.done $0x0  }
0x152: {  	[sflag:s3] =	ssyncadd.s32 $0xFFFF3800  }
0x153: {  	_ =	swait.ge [sflag:s3], $0xC800  }
0x154: {  	[sflag:s3] =	ssyncset.done $0x0  }
0x155: {  	[sflag:s3] =	ssyncadd.s32 $0xFFFF3800  }
0x156: {  	_ =	swait.ge [sflag:s3], $0xC800  }
0x157: {  	[sflag:s3] =	ssyncset.done $0x0  }
0x158: {  	[sflag:s3] =	ssyncadd.s32 $0xFFFF3800  }
0x159: {  	_ =	swait.ge [sflag:s3], $0xC800  }
0x15a: {  	[sflag:s3] =	ssyncset.done $0x0  }
0x15b: {  	[sflag:s3] =	ssyncadd.s32 $0xFFFF3800  }
0x15c: {  	_ =	swait.ge [sflag:s3], $0xC800  }
0x15d: {  	[sflag:s3] =	ssyncset.done $0x0  }
0x15e: {  	[sflag:s3] =	ssyncadd.s32 $0xFFFF3800  }
0x15f: {  	_ =	swait.ge [sflag:s3], $0xC800  }
0x160: {  	[sflag:s3] =	ssyncset.done $0x0  }
0x161: {  	[sflag:s3] =	ssyncadd.s32 $0xFFFF3800  }
0x162: {  	_ =	swait.ge [sflag:s3], $0xC800  }
0x163: {  	[sflag:s3] =	ssyncset.done $0x0  }
0x164: {  	[sflag:s3] =	ssyncadd.s32 $0xFFFF3800  }
0x165: {  	_ =	swait.ge @!p0 [sflag:s31], $0xC800  }
0x166: {  	[sflag:s31] =	ssyncset.done @!p0 $0x0  }
0x167: {  	[sflag:s31] =	ssyncadd.s32 @!p0 $0xFFFF3800  }
0x168: {  	_ =	swait.ge @!p0 [sflag:s31], $0xC800  }
0x169: {  	[sflag:s31] =	ssyncset.done @!p0 $0x0  }
0x16a: {  	[sflag:s31] =	ssyncadd.s32 @!p0 $0xFFFF3800  }
0x16b: {  	_ =	swait.ge @!p0 [sflag:s31], $0xC800  }
0x16c: {  	[sflag:s31] =	ssyncset.done @!p0 $0x0  }
0x16d: {  	[sflag:s31] =	ssyncadd.s32 @!p0 $0xFFFF3800  }
0x16e: {  	_ =	swait.ge @!p0 [sflag:s31], $0xC800  }
0x16f: {  	[sflag:s31] =	ssyncset.done @!p0 $0x0  }
0x170: {  	[sflag:s31] =	ssyncadd.s32 @!p0 $0xFFFF3800  }
0x171: {  	_ =	swait.ge @!p0 [sflag:s31], $0xC800  }
0x172: {  	[sflag:s31] =	ssyncset.done @!p0 $0x0  }
0x173: {  	[sflag:s31] =	ssyncadd.s32 @!p0 $0xFFFF3800  }
0x174: {  	_ =	swait.ge @!p0 [sflag:s31], $0xC800  }
0x175: {  	s1 =	sadd.s32 $0xFFFFFFFF, s1;
	[sflag:s31] =	ssyncset.done @!p0 $0x0  }
0x176: {  	p2 =	sne.s32 s1, $0x0;
	[sflag:s31] =	ssyncadd.s32 @!p0 $0xFFFF3800  }
.Ltmp2:
0x177: {  	_ =	swait.ge @!p0 [sflag:s31], $0xC800;
	(pc) =	sbr.rel @p2 .LBB2_4-.Ltmp2, $4  }
0x178: {  	[sflag:s31] =	ssyncset.done @!p0 $0x0  }
0x179: {  	[sflag:s31] =	ssyncadd.s32 @!p0 $0xFFFF3800  }
0x17a: {  	_ =	swait.ge @!p0 [sflag:s31], $0xC800  }
0x17b: {  	s24 =	smov.u32 s26;
	s0 =	rddreg [dreg:$0x3];
	[sflag:s31] =	ssyncset.done @!p0 $0x0  }
0x17c: {  	s28 =	stileid.u32;
	s29 =	rddreg [dreg:$0x2];
	s26 =	simm.s32 $0x2  }
.LBB2_6:
0x17d: {  	p1 =	por p0, !p1  }
0x17e: {  	[sflag:s31] =	ssyncadd.s32 @!p1 $0xFFFF3800  }
0x17f: {  	[tilespmem:s2], [sflag:$0x1] =	stream.linear.gather [hbm4b:s0+s2], $0xC800, $0x38;
	[tilespmem:$0x19000] =	vst v63  }
0x180: {  	_ =	swait.ge [sflag:s23], $0xC800  }
0x181: {  	[sflag:s23] =	ssyncset.done $0x0  }
0x182: {  	[sflag:s23] =	ssyncadd.s32 $0xFFFF3800  }
0x183: {  	[hbm4b:s24+s2] =	stream.linear.scatter [tilespmem:s2], [sflag:$0x3], $0xC800, $0x38;
	[tilespmem:$0x19000] =	vst v63  }
0x184: {  	s31 =	rddreg [dreg:$0x4]  }
0x185: {  	[hbm4b:s31+s2] =	stream.linear.scatter [tilespmem:s2], [sflag:$0x3], $0xC800, $0x38;
	[tilespmem:$0x19000] =	vst v63  }
0x186: {  	s1 =	rddreg [dreg:$0x5]  }
0x187: {  	[hbm4b:s1+s2] =	stream.linear.scatter [tilespmem:s2], [sflag:$0x3], $0xC800, $0x38;
	[tilespmem:$0x19000] =	vst v63  }
0x188: {  	s24 =	rddreg [dreg:$0x6]  }
0x189: {  	[hbm4b:s24+s2] =	stream.linear.scatter [tilespmem:s2], [sflag:$0x3], $0xC800, $0x38;
	[tilespmem:$0x19000] =	vst v63  }
0x18a: {  	s30 =	rddreg [dreg:$0x7]  }
0x18b: {  	[hbm4b:s30+s2] =	stream.linear.scatter [tilespmem:s2], [sflag:$0x3], $0xC800, $0x38;
	[tilespmem:$0x19000] =	vst v63  }
0x18c: {  	s31 =	rddreg [dreg:$0x8]  }
0x18d: {  	[hbm4b:s31+s2] =	stream.linear.scatter [tilespmem:s2], [sflag:$0x3], $0xC800, $0x38;
	[tilespmem:$0x19000] =	vst v63  }
0x18e: {  	s24 =	rddreg [dreg:$0x9]  }
0x18f: {  	[hbm4b:s24+s2] =	stream.linear.scatter [tilespmem:s2], [sflag:$0x3], $0xC800, $0x38;
	[tilespmem:$0x19000] =	vst v63  }
0x190: {  	s30 =	rddreg [dreg:$0xa]  }
0x191: {  	[hbm4b:s30+s2] =	stream.linear.scatter [tilespmem:s2], [sflag:$0x3], $0xC800, $0x38;
	[tilespmem:$0x19000] =	vst v63  }
0x192: {  	s31 =	rddreg [dreg:$0xb]  }
0x193: {  	[tilespmem:s25], [sflag:$0x2] =	stream.linear.gather [hbm4b:s31+s2], $0xC800, $0x38;
	[tilespmem:$0x19000] =	vst v63  }
0x194: {  	_ =	swait.ge [sflag:s26], $0xC800  }
0x195: {  	[sflag:s26] =	ssyncset.done $0x0  }
0x196: {  	s24 =	rddreg [dreg:$0xc];
	[sflag:s26] =	ssyncadd.s32 $0xFFFF3800  }
0x197: {  	[hbm4b:s24+s2] =	stream.linear.scatter [tilespmem:s25], [sflag:$0x4], $0xC800, $0x38;
	[tilespmem:$0x19000] =	vst v63  }
0x198: {  	s26 =	rddreg [dreg:$0xd]  }
0x199: {  	[hbm4b:s26+s2] =	stream.linear.scatter [tilespmem:s25], [sflag:$0x4], $0xC800, $0x38;
	[tilespmem:$0x19000] =	vst v63  }
0x19a: {  	s30 =	rddreg [dreg:$0xe]  }
0x19b: {  	[hbm4b:s30+s2] =	stream.linear.scatter [tilespmem:s25], [sflag:$0x4], $0xC800, $0x38;
	[tilespmem:$0x19000] =	vst v63  }
0x19c: {  	s31 =	rddreg [dreg:$0xf]  }
0x19d: {  	[hbm4b:s31+s2] =	stream.linear.scatter [tilespmem:s25], [sflag:$0x4], $0xC800, $0x38;
	[tilespmem:$0x19000] =	vst v63  }
0x19e: {  	s24 =	rddreg [dreg:$0x10]  }
0x19f: {  	[hbm4b:s24+s2] =	stream.linear.scatter [tilespmem:s25], [sflag:$0x4], $0xC800, $0x38;
	[tilespmem:$0x19000] =	vst v63  }
0x1a0: {  	s26 =	rddreg [dreg:$0x11]  }
0x1a1: {  	[hbm4b:s26+s2] =	stream.linear.scatter [tilespmem:s25], [sflag:$0x4], $0xC800, $0x38;
	[tilespmem:$0x19000] =	vst v63  }
0x1a2: {  	s30 =	rddreg [dreg:$0x12]  }
0x1a3: {  	[hbm4b:s30+s2] =	stream.linear.scatter [tilespmem:s25], [sflag:$0x4], $0xC800, $0x38;
	[tilespmem:$0x19000] =	vst v63  }
0x1a4: {  	s31 =	rddreg [dreg:$0x13]  }
0x1a5: {  	[hbm4b:s31+s2] =	stream.linear.scatter [tilespmem:s25], [sflag:$0x4], $0xC800, $0x38;
	[tilespmem:$0x19000] =	vst v63  }
0x1a6: {  	_ =	swait.ge [sflag:s3], $0xC800  }
0x1a7: {  	[sflag:s3] =	ssyncset.done $0x0  }
0x1a8: {  	[sflag:s3] =	ssyncadd.s32 $0xFFFF3800  }
0x1a9: {  	_ =	swait.ge [sflag:s3], $0xC800  }
0x1aa: {  	[sflag:s3] =	ssyncset.done $0x0  }
0x1ab: {  	[sflag:s3] =	ssyncadd.s32 $0xFFFF3800  }
0x1ac: {  	_ =	swait.ge [sflag:s3], $0xC800  }
0x1ad: {  	[sflag:s3] =	ssyncset.done $0x0  }
0x1ae: {  	[sflag:s3] =	ssyncadd.s32 $0xFFFF3800  }
0x1af: {  	_ =	swait.ge [sflag:s3], $0xC800  }
0x1b0: {  	[sflag:s3] =	ssyncset.done $0x0  }
0x1b1: {  	[sflag:s3] =	ssyncadd.s32 $0xFFFF3800  }
0x1b2: {  	_ =	swait.ge [sflag:s3], $0xC800  }
0x1b3: {  	[sflag:s3] =	ssyncset.done $0x0  }
0x1b4: {  	[sflag:s3] =	ssyncadd.s32 $0xFFFF3800  }
0x1b5: {  	_ =	swait.ge [sflag:s3], $0xC800  }
0x1b6: {  	[sflag:s3] =	ssyncset.done $0x0  }
0x1b7: {  	[sflag:s3] =	ssyncadd.s32 $0xFFFF3800  }
0x1b8: {  	_ =	swait.ge [sflag:s3], $0xC800  }
0x1b9: {  	[sflag:s3] =	ssyncset.done $0x0  }
0x1ba: {  	[sflag:s3] =	ssyncadd.s32 $0xFFFF3800  }
0x1bb: {  	_ =	swait.ge [sflag:s3], $0xC800  }
0x1bc: {  	[sflag:s3] =	ssyncset.done $0x0  }
0x1bd: {  	[sflag:s3] =	ssyncadd.s32 $0xFFFF3800  }
0x1be: {  	[tilespmem:s2], [sflag:$0x1] =	stream.linear.gather [hbm4b:s22+s2], $0xC800, $0x38;
	[tilespmem:$0x19000] =	vst v63  }
0x1bf: {  	_ =	swait.ge [sflag:s23], $0xC800  }
0x1c0: {  	[sflag:s23] =	ssyncset.done $0x0  }
0x1c1: {  	[sflag:s23] =	ssyncadd.s32 $0xFFFF3800  }
0x1c2: {  	[hbm4b:s21+s2] =	stream.linear.scatter [tilespmem:s2], [sflag:$0x3], $0xC800, $0x38;
	[tilespmem:$0x19000] =	vst v63  }
0x1c3: {  	_ = 	snop  }
0x1c4: {  	[hbm4b:s13+s2] =	stream.linear.scatter [tilespmem:s2], [sflag:$0x3], $0xC800, $0x38;
	[tilespmem:$0x19000] =	vst v63  }
0x1c5: {  	_ = 	snop  }
0x1c6: {  	[hbm4b:s14+s2] =	stream.linear.scatter [tilespmem:s2], [sflag:$0x3], $0xC800, $0x38;
	[tilespmem:$0x19000] =	vst v63  }
0x1c7: {  	_ = 	snop  }
0x1c8: {  	[hbm4b:s16+s2] =	stream.linear.scatter [tilespmem:s2], [sflag:$0x3], $0xC800, $0x38;
	[tilespmem:$0x19000] =	vst v63  }
0x1c9: {  	_ = 	snop  }
0x1ca: {  	[hbm4b:s17+s2] =	stream.linear.scatter [tilespmem:s2], [sflag:$0x3], $0xC800, $0x38;
	[tilespmem:$0x19000] =	vst v63  }
0x1cb: {  	_ = 	snop  }
0x1cc: {  	[hbm4b:s18+s2] =	stream.linear.scatter [tilespmem:s2], [sflag:$0x3], $0xC800, $0x38;
	[tilespmem:$0x19000] =	vst v63  }
0x1cd: {  	_ = 	snop  }
0x1ce: {  	[hbm4b:s19+s2] =	stream.linear.scatter [tilespmem:s2], [sflag:$0x3], $0xC800, $0x38;
	[tilespmem:$0x19000] =	vst v63  }
0x1cf: {  	_ = 	snop  }
0x1d0: {  	[hbm4b:s20+s2] =	stream.linear.scatter [tilespmem:s2], [sflag:$0x3], $0xC800, $0x38;
	[tilespmem:$0x19000] =	vst v63  }
0x1d1: {  	_ =	swait.ge [sflag:s15], $0xC800  }
0x1d2: {  	[sflag:s15] =	ssyncset.done $0x0  }
0x1d3: {  	[sflag:s15] =	ssyncadd.s32 $0xFFFF3800  }
0x1d4: {  	_ =	swait.ge [sflag:s15], $0xC800  }
0x1d5: {  	[sflag:s15] =	ssyncset.done $0x0  }
0x1d6: {  	[sflag:s15] =	ssyncadd.s32 $0xFFFF3800  }
0x1d7: {  	_ =	swait.ge [sflag:s15], $0xC800  }
0x1d8: {  	[sflag:s15] =	ssyncset.done $0x0  }
0x1d9: {  	[sflag:s15] =	ssyncadd.s32 $0xFFFF3800  }
0x1da: {  	_ =	swait.ge [sflag:s15], $0xC800  }
0x1db: {  	[sflag:s15] =	ssyncset.done $0x0  }
0x1dc: {  	[sflag:s15] =	ssyncadd.s32 $0xFFFF3800  }
0x1dd: {  	_ =	swait.ge [sflag:s15], $0xC800  }
0x1de: {  	[sflag:s15] =	ssyncset.done $0x0  }
0x1df: {  	[sflag:s15] =	ssyncadd.s32 $0xFFFF3800  }
0x1e0: {  	_ =	swait.ge [sflag:s15], $0xC800  }
0x1e1: {  	[sflag:s15] =	ssyncset.done $0x0  }
0x1e2: {  	[sflag:s15] =	ssyncadd.s32 $0xFFFF3800  }
0x1e3: {  	_ =	swait.ge [sflag:s15], $0xC800  }
0x1e4: {  	[sflag:s15] =	ssyncset.done $0x0  }
0x1e5: {  	[sflag:s15] =	ssyncadd.s32 $0xFFFF3800  }
0x1e6: {  	_ =	swait.ge [sflag:s15], $0xC800  }
0x1e7: {  	s0 =	simm.s32 @!p0 $0x0;
	[sflag:s15] =	ssyncset.done $0x0  }
0x1e8: {  	s1 =	simm.s32 @!p0 $0xC800;
	s2 =	simm.s32 @!p0 $0x2;
	[sflag:s15] =	ssyncadd.s32 $0xFFFF3800  }
0x1e9: {  	[tilespmem:s1], [sflag:$0x2] =	stream.linear.gather @!p0 [hbm4b:s12+s0], $0xC800, $0x38;
	[tilespmem:$0x19000] =	vst v63  }
0x1ea: {  	_ =	swait.ge @!p0 [sflag:s2], $0xC800  }
0x1eb: {  	[sflag:s2] =	ssyncset.done @!p0 $0x0  }
0x1ec: {  	[sflag:s2] =	ssyncadd.s32 @!p0 $0xFFFF3800  }
0x1ed: {  	[hbm4b:s11+s0] =	stream.linear.scatter @!p0 [tilespmem:s1], [sflag:$0x4], $0xC800, $0x38;
	[tilespmem:$0x19000] =	vst v63  }
0x1ee: {  	_ = 	snop  }
0x1ef: {  	[hbm4b:s4+s0] =	stream.linear.scatter @!p0 [tilespmem:s1], [sflag:$0x4], $0xC800, $0x38;
	[tilespmem:$0x19000] =	vst v63  }
0x1f0: {  	_ = 	snop  }
0x1f1: {  	[hbm4b:s5+s0] =	stream.linear.scatter @!p0 [tilespmem:s1], [sflag:$0x4], $0xC800, $0x38;
	[tilespmem:$0x19000] =	vst v63  }
0x1f2: {  	_ = 	snop  }
0x1f3: {  	[hbm4b:s6+s0] =	stream.linear.scatter @!p0 [tilespmem:s1], [sflag:$0x4], $0xC800, $0x38;
	[tilespmem:$0x19000] =	vst v63  }
0x1f4: {  	_ = 	snop  }
0x1f5: {  	[hbm4b:s7+s0] =	stream.linear.scatter @!p0 [tilespmem:s1], [sflag:$0x4], $0xC800, $0x38;
	[tilespmem:$0x19000] =	vst v63  }
0x1f6: {  	_ = 	snop  }
0x1f7: {  	[hbm4b:s8+s0] =	stream.linear.scatter @!p0 [tilespmem:s1], [sflag:$0x4], $0xC800, $0x38;
	[tilespmem:$0x19000] =	vst v63  }
0x1f8: {  	_ = 	snop  }
0x1f9: {  	[hbm4b:s9+s0] =	stream.linear.scatter @!p0 [tilespmem:s1], [sflag:$0x4], $0xC800, $0x38;
	[tilespmem:$0x19000] =	vst v63  }
0x1fa: {  	_ = 	snop  }
0x1fb: {  	[hbm4b:s10+s0] =	stream.linear.scatter @!p0 [tilespmem:s1], [sflag:$0x4], $0xC800, $0x38;
	[tilespmem:$0x19000] =	vst v63  }
0x1fc: {  	_ =	swait.ge [sflag:s3], $0xC800  }
0x1fd: {  	[sflag:s3] =	ssyncset.done $0x0  }
0x1fe: {  	[sflag:s3] =	ssyncadd.s32 $0xFFFF3800  }
0x1ff: {  	_ =	swait.ge [sflag:s3], $0xC800  }
0x200: {  	[sflag:s3] =	ssyncset.done $0x0  }
0x201: {  	[sflag:s3] =	ssyncadd.s32 $0xFFFF3800  }
0x202: {  	_ =	swait.ge [sflag:s3], $0xC800  }
0x203: {  	[sflag:s3] =	ssyncset.done $0x0  }
0x204: {  	[sflag:s3] =	ssyncadd.s32 $0xFFFF3800  }
0x205: {  	_ =	swait.ge [sflag:s3], $0xC800  }
0x206: {  	[sflag:s3] =	ssyncset.done $0x0  }
0x207: {  	[sflag:s3] =	ssyncadd.s32 $0xFFFF3800  }
0x208: {  	_ =	swait.ge [sflag:s3], $0xC800  }
0x209: {  	[sflag:s3] =	ssyncset.done $0x0  }
0x20a: {  	[sflag:s3] =	ssyncadd.s32 $0xFFFF3800  }
0x20b: {  	_ =	swait.ge [sflag:s3], $0xC800  }
0x20c: {  	[sflag:s3] =	ssyncset.done $0x0  }
0x20d: {  	[sflag:s3] =	ssyncadd.s32 $0xFFFF3800  }
0x20e: {  	_ =	swait.ge [sflag:s3], $0xC800  }
0x20f: {  	[sflag:s3] =	ssyncset.done $0x0  }
0x210: {  	[sflag:s3] =	ssyncadd.s32 $0xFFFF3800  }
0x211: {  	_ =	swait.ge [sflag:s3], $0xC800  }
0x212: {  	[sflag:s3] =	ssyncset.done $0x0  }
0x213: {  	s0 =	simm.s32 @!p0 $0x4;
	[sflag:s3] =	ssyncadd.s32 $0xFFFF3800  }
0x214: {  	_ =	swait.ge @!p0 [sflag:s0], $0xC800  }
0x215: {  	[sflag:s0] =	ssyncset.done @!p0 $0x0  }
0x216: {  	[sflag:s0] =	ssyncadd.s32 @!p0 $0xFFFF3800  }
0x217: {  	_ =	swait.ge @!p0 [sflag:s0], $0xC800  }
0x218: {  	[sflag:s0] =	ssyncset.done @!p0 $0x0  }
0x219: {  	[sflag:s0] =	ssyncadd.s32 @!p0 $0xFFFF3800  }
0x21a: {  	_ =	swait.ge @!p0 [sflag:s0], $0xC800  }
0x21b: {  	[sflag:s0] =	ssyncset.done @!p0 $0x0  }
0x21c: {  	[sflag:s0] =	ssyncadd.s32 @!p0 $0xFFFF3800  }
0x21d: {  	_ =	swait.ge @!p0 [sflag:s0], $0xC800  }
0x21e: {  	[sflag:s0] =	ssyncset.done @!p0 $0x0  }
0x21f: {  	[sflag:s0] =	ssyncadd.s32 @!p0 $0xFFFF3800  }
0x220: {  	_ =	swait.ge @!p0 [sflag:s0], $0xC800  }
0x221: {  	[sflag:s0] =	ssyncset.done @!p0 $0x0  }
0x222: {  	[sflag:s0] =	ssyncadd.s32 @!p0 $0xFFFF3800  }
0x223: {  	_ =	swait.ge @!p0 [sflag:s0], $0xC800  }
0x224: {  	[sflag:s0] =	ssyncset.done @!p0 $0x0  }
0x225: {  	[sflag:s0] =	ssyncadd.s32 @!p0 $0xFFFF3800  }
0x226: {  	_ =	swait.ge @!p0 [sflag:s0], $0xC800  }
0x227: {  	[sflag:s0] =	ssyncset.done @!p0 $0x0  }
0x228: {  	[sflag:s0] =	ssyncadd.s32 @!p0 $0xFFFF3800  }
0x229: {  	_ =	swait.ge @!p0 [sflag:s0], $0xC800  }
0x22a: {  	[sflag:s0] =	ssyncset.done @!p0 $0x0  }
0x22b: {  	[sflag:s0] =	ssyncadd.s32 @!p0 $0xFFFF3800  }
0x22c: {  	_ =	sfence.sel $0x180000  }
0x22d: {  	[bflag:$0x0] =	sbarrier.arrive $0xFFFF  }
0x22e: {  	p0 =	sne.s32 s28, $0x0;
	_ =	strace $0x90000047  }
0x22f: {  	s0 =	sadd.s32 @!p0 $0x100000, s29;
	[bflag:$0x2] =	sbarrier.arrive $0xFFFF  }
0x230: {  	[sflag:s0] =	ssyncadd.tile.s32 @!p0 $0x1;
	_ =	shalt  }
.LBB2_1:
.Ltmp3:
0x231: {  	(pc) =	sbr.rel .LBB2_6-.Ltmp3, $2  }
0x232: {  	_ =	sdelay $0x2  }
0x233: {  	_ = 	snop  }
.LBB2_3:
.Ltmp4:
0x234: {  	(pc) =	sbr.rel .LBB2_6-.Ltmp4, $2  }
0x235: {  	_ =	sdelay $0x2  }
0x236: {  	s28 =	stileid.u32;
	s29 =	rddreg [dreg:$0x2];
	s26 =	simm.s32 $0x2  }
.Lfunc_end2:
_tile_overlayer_lowered:
.L_overlay_start_2:
0x237: {  	(tag) =	ssettag $0x2  }
0x238: {  	s0 =	rddreg [dreg:$0x0];
	s2 =	stileid.u32  }
0x239: {  	s1 =	rddreg [dreg:$0x1];
	p0 =	sne.s32 s2, $0x0  }
0x23a: {  	s3 =	rddreg [dreg:$0x2];
	[bflag:$0x3] =	sbarrier.arrive $0xFFFF;
	s2 =	simm.s32 @!p0 $0x1C05  }
0x23b: {  	[timem:s3], [sflag:s2] =	dma.local @!p0 [hbm:s0], s1  }
0x23c: {  	s0 =	simm.s32 @!p0 $0x5  }
0x23d: {  	_ =	swait.ge @!p0 [sflag:s0], s1  }
0x23e: {  	s1 =	ssub.s32 @!p0 $0x0, s1;
	[sflag:s0] =	ssyncset.done @!p0 $0x0  }
0x23f: {  	[sflag:s0] =	ssyncadd.s32 @!p0 s1  }
0x240: {  	[bflag:$0x3] =	sbarrier.arrive $0xFFFF  }
0x241: {  	_ =	shalt  }

</sc_bundles>
